<compile_context>
chip_gen: v7x
topology: tpu7x:2x2x1
jax: 0.10.2.dev20260603
libtpu: 0.0.44.dev20260713+nightly
codegen_flags: <defaults>
</compile_context>

<pallas_src>
import functools

import jax
import jax.numpy as jnp
from jax import lax
from jax.experimental import pallas as pl
from jax.experimental.pallas import tpu as pltpu
from jax.experimental.pallas import tpu_sc as plsc

N_ATOMS = 50000
D = 64
EMB = 64
G = 200000
NEG = float("-inf")

NC, NS = 2, 16
NW = NC * NS
GW = 6272
GP = NW * GW
CH = 128
NCH = GW // CH



def _gmax_body(aM0, aM1, cM0, cM1, gi0T, gi1T, out0, out1, idx_v, rows_v, c_v, o_v, sem):
    wid = lax.axis_index("s") * NC + lax.axis_index("c")
    base = wid * GW
    for j in (0, 1):
        arity = 2 if j == 0 else 3
        aM = aM0 if j == 0 else aM1
        cM = cM0 if j == 0 else cM1
        giT = gi0T if j == 0 else gi1T
        out = out0 if j == 0 else out1

        def chunk_body(c, _, arity=arity, aM=aM, cM=cM, giT=giT, out=out):
            off = base + c * CH
            for k in range(arity):
                pltpu.sync_copy(giT.at[pl.ds(k * GP + off, CH)], idx_v.at[k])
            cps = [pltpu.async_copy(aM.at[idx_v.at[k]], rows_v.at[k], sem)
                   for k in range(arity)]
            pltpu.sync_copy(cM.at[pl.ds(off, CH), :], c_v)
            for cp in cps:
                cp.wait()

            def row_body(r, _):
                for cb in range(4):
                    s = pl.ds(cb * 16, 16)
                    m = jnp.maximum(rows_v[0, r, s], rows_v[1, r, s])
                    if arity == 3:
                        m = jnp.maximum(m, rows_v[2, r, s])
                    o_v[r, s] = jnp.maximum(m + c_v[r, s], 0.0)
                return 0

            lax.fori_loop(0, CH, row_body, 0, unroll=False)
            pltpu.sync_copy(o_v, out.at[pl.ds(off, CH), :])
            return 0

        lax.fori_loop(0, NCH, chunk_body, 0, unroll=False)


@functools.partial(jax.jit, static_argnums=())
def _sc_gather_max(aM0, aM1, cM0, cM1, gi0T, gi1T):
    mesh = plsc.VectorSubcoreMesh(core_axis_name="c", subcore_axis_name="s")
    f = pl.kernel(
        _gmax_body,
        out_type=[jax.ShapeDtypeStruct((GP, EMB), jnp.float32),
                  jax.ShapeDtypeStruct((GP, EMB), jnp.float32)],
        mesh=mesh,
        scratch_types=[
            pltpu.VMEM((3, CH), jnp.int32),
            pltpu.VMEM((3, CH, EMB), jnp.float32),
            pltpu.VMEM((CH, EMB), jnp.float32),
            pltpu.VMEM((CH, EMB), jnp.float32),
            pltpu.SemaphoreType.DMA,
        ],
        compiler_params=pltpu.CompilerParams(use_tc_tiling_on_sc=False),
    )
    return f(aM0, aM1, cM0, cM1, gi0T, gi1T)



def _mm_kernel(a_ref, w_ref, b_ref, o_ref):
    o_ref[...] = jnp.dot(a_ref[...], w_ref[...],
                         preferred_element_type=jnp.float32) + b_ref[...]


def _mm(a, w, b, bm=2000):
    m = a.shape[0]
    grid = (m // bm,)
    return pl.pallas_call(
        _mm_kernel,
        grid=grid,
        in_specs=[pl.BlockSpec((bm, a.shape[1]), lambda i: (i, 0)),
                  pl.BlockSpec((a.shape[1], w.shape[1]), lambda i: (0, 0)),
                  pl.BlockSpec((1, w.shape[1]), lambda i: (0, 0))],
        out_specs=pl.BlockSpec((bm, w.shape[1]), lambda i: (i, 0)),
        out_shape=jax.ShapeDtypeStruct((m, w.shape[1]), jnp.float32),
    )(a, w, b[None])


def _combine_kernel(u0_ref, s0_ref, u1_ref, s1_ref, o_ref):
    r0 = jnp.maximum(u0_ref[...] + s0_ref[...], 0.0)
    r1 = jnp.maximum(u1_ref[...] + s1_ref[...], 0.0)
    o_ref[...] = jnp.maximum(r0, r1)


def _combine(u0, s0, u1, s1, bm=2000):
    m = u0.shape[0]
    spec = pl.BlockSpec((bm, u0.shape[1]), lambda i: (i, 0))
    return pl.pallas_call(
        _combine_kernel,
        grid=(m // bm,),
        in_specs=[spec] * 4,
        out_specs=spec,
        out_shape=jax.ShapeDtypeStruct(u0.shape, jnp.float32),
    )(u0, s0, u1, s1)


def _relu_add_kernel(a_ref, b_ref, o_ref):
    o_ref[...] = jnp.maximum(a_ref[...] + b_ref[...], 0.0)


def _relu_add(a, b, bm=2000):
    m = a.shape[0]
    spec = pl.BlockSpec((bm, a.shape[1]), lambda i: (i, 0))
    return pl.pallas_call(
        _relu_add_kernel,
        grid=(m // bm,),
        in_specs=[spec, spec],
        out_specs=spec,
        out_shape=jax.ShapeDtypeStruct(a.shape, jnp.float32),
    )(a, b)



R = 1568
NP = NW * R
SC_C = 4000
SC_NCH = G // SC_C
SB = 128


MB = SC_C + SB


def _smax_body(cU0, cU1, gi0f, gi1f, out0, out1, idxb, mp, gidx, rows_v, sem):
    wid = lax.axis_index("s") * NC + lax.axis_index("c")
    lo = wid * R
    base_out = wid * R * EMB
    neg = jnp.full((16,), NEG, jnp.float32)
    iota = lax.iota(jnp.int32, 16)
    dummy = jnp.full((16,), R, jnp.int32)

    def init_table(table):
        def ib(v, _):
            table[pl.ds(v * 16, 16)] = neg
            return 0
        lax.fori_loop(0, (R + 16) * EMB // 16, ib, 0, unroll=False)

    def run(table):
        zero16 = jnp.zeros((16,), jnp.int32)

        def zb(v, _):
            mp[pl.ds(v * 16, 16)] = zero16
            return 0
        lax.fori_loop(0, MB // 16, zb, 0, unroll=False)
        init_table(table)
        for j in (0, 1):
            arity = 2 if j == 0 else 3
            cU = cU0 if j == 0 else cU1
            gif = gi0f if j == 0 else gi1f
            out = out0 if j == 0 else out1
            for k in range(arity):
                def chunk_body(c, _, k=k, cU=cU, gif=gif):
                    pltpu.sync_copy(gif.at[pl.ds(k * GP + c * SC_C, SC_C)],
                                    idxb)

                    def scan_body(v, off):
                        iv = idxb[pl.ds(v * 16, 16)]
                        d = iv - lo
                        t = d | (lo + (R - 1) - iv)
                        nm = lax.shift_right_logical(t, 31)
                        key = iota + lax.shift_left(nm, 4)
                        g16 = (c * SC_C + v * 16) + iota
                        packed = lax.shift_left(g16, 11) | (d & 2047)
                        sp = plsc.sort_key_val(key, packed)[1]
                        mp[pl.ds(off, 16)] = sp
                        return off + (16 - jnp.sum(nm))

                    count = lax.fori_loop(0, SC_C // 16, scan_body,
                                          jnp.int32(0), unroll=False)
                    mp[pl.ds(count, 16)] = dummy
                    cpad = (count + 15) & (-16)
                    nb = lax.shift_right_logical(cpad + (SB - 1), 7)

                    def batch_body(b, _):
                        for q in range(SB // 16):
                            pv = mp[pl.ds(b * SB + q * 16, 16)]
                            gidx[pl.ds(q * 16, 16)] = (
                                lax.shift_right_logical(pv, 11))
                        pltpu.async_copy(cU.at[gidx], rows_v.at[0],
                                         sem).wait()
                        ng = lax.shift_right_logical(
                            jnp.minimum(cpad - b * SB, SB), 4)

                        def grp_body(gq, _):
                            pv16 = mp[pl.ds(b * SB + gq * 16, 16)]
                            lv = lax.shift_left(pv16 & 2047, 6)
                            for t in range(16):
                                l64 = lv[t]
                                rl = gq * 16 + t
                                for cb in range(4):
                                    sl = pl.ds(l64 + cb * 16, 16)
                                    rv = rows_v[0, rl, pl.ds(cb * 16, 16)]
                                    table[sl] = jnp.maximum(table[sl], rv)
                            return 0

                        lax.fori_loop(0, ng, grp_body, 0, unroll=False)
                        return 0

                    lax.fori_loop(0, nb, batch_body, 0, unroll=False)
                    return 0

                lax.fori_loop(0, SC_NCH, chunk_body, 0, unroll=False)
            pltpu.sync_copy(table.at[pl.ds(0, R * EMB)],
                            out.at[pl.ds(base_out, R * EMB)])
            if j == 0:
                init_table(table)

    pl.run_scoped(run, pltpu.VMEM(((R + 16) * EMB,), jnp.float32))


def _sc_scatter_max(cU0, cU1, gi0f, gi1f):
    mesh = plsc.VectorSubcoreMesh(core_axis_name="c", subcore_axis_name="s")
    f = pl.kernel(
        _smax_body,
        out_type=[jax.ShapeDtypeStruct((NP * EMB,), jnp.float32),
                  jax.ShapeDtypeStruct((NP * EMB,), jnp.float32)],
        mesh=mesh,
        scratch_types=[
            pltpu.VMEM((SC_C,), jnp.int32),
            pltpu.VMEM((MB,), jnp.int32),
            pltpu.VMEM((SB,), jnp.int32),
            pltpu.VMEM((1, SB, EMB), jnp.float32),
            pltpu.SemaphoreType.DMA,
        ],
        compiler_params=pltpu.CompilerParams(use_tc_tiling_on_sc=False,
                                             needs_layout_passes=False),
    )
    s0, s1 = f(cU0, cU1, gi0f, gi1f)
    return s0.reshape(NP, EMB), s1.reshape(NP, EMB)



def _gather_max(table, gi):
    return jnp.max(table[gi], axis=1)


def _scatter_max(c, gi, n_atoms):
    arity = gi.shape[1]
    smax = jnp.full((n_atoms, EMB), NEG, jnp.float32)
    vals = jnp.repeat(c, arity, axis=0)
    return smax.at[gi.reshape(-1)].max(vals, mode="drop")



def kernel(x, gi0, gi1, fgc0, fgc1,
           WM00, bM00, WU00, bU00, WM01, bM01, WU01, bU01,
           WM10, bM10, WU10, bU10, WM11, bM11, WU11, bU11):
    atom = jnp.pad(x[0], ((0, NP - N_ATOMS), (0, 0)))
    gi0 = gi0.astype(jnp.int32)
    gi1 = gi1.astype(jnp.int32)
    gi0T = jnp.pad(gi0.T, ((0, 0), (0, GP - G))).reshape(-1)
    gi1T = jnp.pad(gi1.T, ((0, 0), (0, GP - G))).reshape(-1)
    aU0 = _mm(atom, WU00[:D], bU00 * 0, bm=3136)
    aU1 = _mm(atom, WU10[:D], bU10 * 0, bm=3136)
    aM0 = _mm(atom, WM00[:D], bM00 * 0, bm=3136)
    aM1 = _mm(atom, WM10[:D], bM10 * 0, bm=3136)
    fgc0p = jnp.pad(fgc0, ((0, GP - G), (0, 0)))
    fgc1p = jnp.pad(fgc1, ((0, GP - G), (0, 0)))
    cU0 = _mm(fgc0p, WU00[D:], bU00, bm=2048)
    cU1 = _mm(fgc1p, WU10[D:], bU10, bm=2048)
    cM0 = _mm(fgc0p, WM00[D:], bM00, bm=2048)
    cM1 = _mm(fgc1p, WM10[D:], bM10, bm=2048)

    last0p, last1p = _sc_gather_max(aM0, aM1, cM0, cM1, gi0T, gi1T)

    s0, s1 = _sc_scatter_max(cU0, cU1, gi0T, gi1T)
    atom1 = _combine(aU0, s0, aU1, s1, bm=3136)

    aU0b = _mm(atom1, WU01[:D], bU01 * 0, bm=3136)
    aU1b = _mm(atom1, WU11[:D], bU11 * 0, bm=3136)
    cU0b = _mm(last0p, WU01[D:], bU01, bm=2048)
    cU1b = _mm(last1p, WU11[D:], bU11, bm=2048)
    s0b, s1b = _sc_scatter_max(cU0b, cU1b, gi0T, gi1T)
    out = _combine(aU0b, s0b, aU1b, s1b, bm=3136)
    return out[:N_ATOMS][None]

# --- scband reference (transcript-rebuilt; emitter-appended) ---
"""Pipeline reference for scband-fgnnbased-formula-embedding-layer-75831942578506 (READ-ONLY COPY).

The authoritative reference and input builder live on the scoring server;
editing this copy changes nothing except your own understanding.
"""

import jax, jax.numpy as jnp
import numpy as np

N_ATOMS = 50000
D = 64
EMB = 64
T = 2
G = 200000
ARITIES = (2, 3)


def _forward(x, gis, fgcs, params):
    # x: [1, N_ATOMS, D]; params[j][i] = (WM, bM, WU, bU)
    atom = x[0]
    last_gc = [None, None]
    for i in range(T):
        new_atom = jnp.zeros((atom.shape[0], EMB), dtype=atom.dtype)
        for j in range(2):
            gi = gis[j]
            gc_fi = atom[gi]  # gather -> [G, arity, d]
            gcl = fgcs[j] if i == 0 else last_gc[j]
            tiled = jnp.broadcast_to(gcl[:, None, :], (gi.shape[0], gi.shape[1], gcl.shape[-1]))
            gc_fi = jnp.concatenate([gc_fi, tiled], axis=-1)
            WM, bM, WU, bU = params[j][i]
            if i < T - 1:
                gc = jax.nn.relu(gc_fi @ WM + bM)
                last_gc[j] = jnp.max(gc, axis=-2)
            fi = jax.nn.relu(gc_fi @ WU + bU)
            # tensor_scatter_nd_max on zeros base
            new_atom = new_atom.at[gi.reshape(-1)].max(fi.reshape(-1, EMB))
        atom = new_atom
    return atom[None]


def setup_inputs(seed: int = 0):
    key = jax.random.key(seed)
    ks = [jax.random.fold_in(key, t) for t in range(40)]
    inp = {}
    inp["x"] = jax.random.normal(ks[0], (1, N_ATOMS, D), dtype=jnp.float32)
    inp["gi0"] = jax.random.randint(ks[1], (G, ARITIES[0]), 0, N_ATOMS)
    inp["gi1"] = jax.random.randint(ks[2], (G, ARITIES[1]), 0, N_ATOMS)
    inp["fgc0"] = jax.random.normal(ks[3], (G, D), dtype=jnp.float32)
    inp["fgc1"] = jax.random.normal(ks[4], (G, D), dtype=jnp.float32)
    kidx = 5
    for j in range(2):
        for i in range(T):
            d_in = D + D if i == 0 else EMB + EMB  # both 128 here
            inp["WM%d%d" % (j, i)] = jax.random.normal(ks[kidx], (d_in, EMB), dtype=jnp.float32) * 0.08; kidx += 1
            inp["bM%d%d" % (j, i)] = jnp.zeros((EMB,), dtype=jnp.float32)
            inp["WU%d%d" % (j, i)] = jax.random.normal(ks[kidx], (d_in, EMB), dtype=jnp.float32) * 0.08; kidx += 1
            inp["bU%d%d" % (j, i)] = jnp.zeros((EMB,), dtype=jnp.float32)
    return inp


def reference(x, gi0, gi1, fgc0, fgc1,
              WM00, bM00, WU00, bU00, WM01, bM01, WU01, bU01,
              WM10, bM10, WU10, bU10, WM11, bM11, WU11, bU11):
    gis = (gi0, gi1)
    fgcs = (fgc0, fgc1)
    params = [
        [(WM00, bM00, WU00, bU00), (WM01, bM01, WU01, bU01)],
        [(WM10, bM10, WU10, bU10), (WM11, bM11, WU11, bU11)],
    ]
    return _forward(x, gis, fgcs, params)

if __name__ == "__main__":
    import jax
    _d = setup_inputs()
    print(jax.jit(kernel)(*tuple(_d.values())))

</pallas_src>

<mosaic_0001>
#map = affine_map<(d0, d1) -> (0, 0)>
#map1 = affine_map<(d0, d1) -> (0)>
module attributes {stable_mosaic.version = 14 : i64} {
  func.func @_gmax_body(%arg0: i32, %arg1: i32, %arg2: memref<50176x64xf32, #tpu.memory_space<hbm>>, %arg3: memref<50176x64xf32, #tpu.memory_space<hbm>>, %arg4: memref<200704x64xf32, #tpu.memory_space<hbm>>, %arg5: memref<200704x64xf32, #tpu.memory_space<hbm>>, %arg6: memref<401408xi32, #tpu.memory_space<hbm>>, %arg7: memref<602112xi32, #tpu.memory_space<hbm>>, %arg8: memref<200704x64xf32, #tpu.memory_space<hbm>>, %arg9: memref<200704x64xf32, #tpu.memory_space<hbm>>, %arg10: memref<3x128xi32, #tpu.memory_space<vmem>>, %arg11: memref<3x128x64xf32, #tpu.memory_space<vmem>>, %arg12: memref<128x64xf32, #tpu.memory_space<vmem>>, %arg13: memref<128x64xf32, #tpu.memory_space<vmem>>, %arg14: memref<!tpu.dma_semaphore, #tpu.memory_space<semaphore_mem>>) attributes {dimension_semantics = [#tpu.dimension_semantics<core_parallel>, #tpu.dimension_semantics<subcore_parallel>], iteration_bounds = array<i64: 2, 16>, scalar_prefetch = 0 : i64, scratch_operands = 5 : i64, tpu.core_type = #tpu.core_type<sc_vector_subcore>, window_params = [{transform_indices = #map}, {transform_indices = #map}, {transform_indices = #map}, {transform_indices = #map}, {transform_indices = #map1}, {transform_indices = #map1}, {transform_indices = #map}, {transform_indices = #map}]} {
    %mul3A = arith.constant 2 : i32
    %mul3A_0 = arith.muli %arg1, %mul3A : i32
    %add3A = arith.addi %mul3A_0, %arg0 : i32
    %mul3A_1 = arith.constant 6272 : i32
    %mul3A_2 = arith.muli %add3A, %mul3A_1 : i32
    %scan3A = arith.constant 0 : i32
    %scan3A_3 = arith.constant 0 : i32
    %scan3A_4 = arith.constant 49 : i32
    %scan3A_5 = arith.addi %scan3A_3, %scan3A_4 : i32
    %scan3A_6 = arith.constant 1 : i32
    %scan3A_7 = scf.for %scan3A_16 = %scan3A_3 to %scan3A_5 step %scan3A_6 iter_args(%scan3A_17 = %scan3A) -> (i32)  : i32 {
      %mul3A_18 = arith.constant 128 : i32
      %mul3A_19 = arith.muli %scan3A_16, %mul3A_18 : i32
      %add3A_20 = arith.addi %mul3A_2, %mul3A_19 : i32
      %add3A_21 = arith.constant 0 : i32
      %add3A_22 = arith.addi %add3A_21, %add3A_20 : i32
      %run_scoped3A = arith.constant 0 : i32
      "tpu.region"() ({
        %run_scoped3A_80 = tpu.sem_alloc : memref<!tpu.dma_semaphore, #tpu.memory_space<semaphore_mem>>
        %dma_start3A_81 = arith.constant 0 : i32
        %dma_start3A_82 = tpu.memref_slice %arg10[%run_scoped3A, %dma_start3A_81] : memref<3x128xi32, #tpu.memory_space<vmem>> -> memref<1x128xi32, #tpu.memory_space<vmem>>
        %dma_start3A_83 = tpu.memref_squeeze %dma_start3A_82 : memref<1x128xi32, #tpu.memory_space<vmem>> -> memref<128xi32, #tpu.memory_space<vmem>>
        %dma_start3A_84 = tpu.memref_slice %arg6[%add3A_22] : memref<401408xi32, #tpu.memory_space<hbm>> -> memref<128xi32, #tpu.memory_space<hbm>>
        %dma_start3A_85 = arith.constant 0 : i32
        %dma_start3A_86 = tpu.memref_slice %arg10[%run_scoped3A, %dma_start3A_85] : memref<3x128xi32, #tpu.memory_space<vmem>> -> memref<1x128xi32, #tpu.memory_space<vmem>>
        %dma_start3A_87 = tpu.memref_squeeze %dma_start3A_86 : memref<1x128xi32, #tpu.memory_space<vmem>> -> memref<128xi32, #tpu.memory_space<vmem>>
        %dma_start3A_88 = tpu.memref_slice %arg6[%add3A_22] : memref<401408xi32, #tpu.memory_space<hbm>> -> memref<128xi32, #tpu.memory_space<hbm>>
        tpu.enqueue_dma source(%dma_start3A_88 : memref<128xi32, #tpu.memory_space<hbm>>) target(%dma_start3A_87 : memref<128xi32, #tpu.memory_space<vmem>>) target_semaphore(%run_scoped3A_80 : memref<!tpu.dma_semaphore, #tpu.memory_space<semaphore_mem>>)
        %dma_wait3A_89 = arith.constant 0 : i32
        %dma_wait3A_90 = tpu.memref_slice %arg10[%run_scoped3A, %dma_wait3A_89] : memref<3x128xi32, #tpu.memory_space<vmem>> -> memref<1x128xi32, #tpu.memory_space<vmem>>
        %dma_wait3A_91 = tpu.memref_squeeze %dma_wait3A_90 : memref<1x128xi32, #tpu.memory_space<vmem>> -> memref<128xi32, #tpu.memory_space<vmem>>
        %dma_wait3A_92 = tpu.memref_slice %arg6[%add3A_22] : memref<401408xi32, #tpu.memory_space<hbm>> -> memref<128xi32, #tpu.memory_space<hbm>>
        %dma_wait3A_93 = arith.constant 0 : i32
        %dma_wait3A_94 = tpu.memref_slice %arg10[%run_scoped3A, %dma_wait3A_93] : memref<3x128xi32, #tpu.memory_space<vmem>> -> memref<1x128xi32, #tpu.memory_space<vmem>>
        %dma_wait3A_95 = tpu.memref_squeeze %dma_wait3A_94 : memref<1x128xi32, #tpu.memory_space<vmem>> -> memref<128xi32, #tpu.memory_space<vmem>>
        %dma_wait3A_96 = tpu.memref_slice %arg6[%add3A_22] : memref<401408xi32, #tpu.memory_space<hbm>> -> memref<128xi32, #tpu.memory_space<hbm>>
        tpu.wait_dma2 semaphore(%run_scoped3A_80 : memref<!tpu.dma_semaphore, #tpu.memory_space<semaphore_mem>>) src(%dma_wait3A_96 : memref<128xi32, #tpu.memory_space<hbm>>) dst(%dma_wait3A_95 : memref<128xi32, #tpu.memory_space<vmem>>)
        tpu.yield
      }) : () -> ()
      %add3A_23 = arith.constant 200704 : i32
      %add3A_24 = arith.addi %add3A_23, %add3A_20 : i32
      %run_scoped3A_25 = arith.constant 1 : i32
      "tpu.region"() ({
        %run_scoped3A_80 = tpu.sem_alloc : memref<!tpu.dma_semaphore, #tpu.memory_space<semaphore_mem>>
        %dma_start3A_81 = arith.constant 0 : i32
        %dma_start3A_82 = tpu.memref_slice %arg10[%run_scoped3A_25, %dma_start3A_81] : memref<3x128xi32, #tpu.memory_space<vmem>> -> memref<1x128xi32, #tpu.memory_space<vmem>>
        %dma_start3A_83 = tpu.memref_squeeze %dma_start3A_82 : memref<1x128xi32, #tpu.memory_space<vmem>> -> memref<128xi32, #tpu.memory_space<vmem>>
        %dma_start3A_84 = tpu.memref_slice %arg6[%add3A_24] : memref<401408xi32, #tpu.memory_space<hbm>> -> memref<128xi32, #tpu.memory_space<hbm>>
        %dma_start3A_85 = arith.constant 0 : i32
        %dma_start3A_86 = tpu.memref_slice %arg10[%run_scoped3A_25, %dma_start3A_85] : memref<3x128xi32, #tpu.memory_space<vmem>> -> memref<1x128xi32, #tpu.memory_space<vmem>>
        %dma_start3A_87 = tpu.memref_squeeze %dma_start3A_86 : memref<1x128xi32, #tpu.memory_space<vmem>> -> memref<128xi32, #tpu.memory_space<vmem>>
        %dma_start3A_88 = tpu.memref_slice %arg6[%add3A_24] : memref<401408xi32, #tpu.memory_space<hbm>> -> memref<128xi32, #tpu.memory_space<hbm>>
        tpu.enqueue_dma source(%dma_start3A_88 : memref<128xi32, #tpu.memory_space<hbm>>) target(%dma_start3A_87 : memref<128xi32, #tpu.memory_space<vmem>>) target_semaphore(%run_scoped3A_80 : memref<!tpu.dma_semaphore, #tpu.memory_space<semaphore_mem>>)
        %dma_wait3A_89 = arith.constant 0 : i32
        %dma_wait3A_90 = tpu.memref_slice %arg10[%run_scoped3A_25, %dma_wait3A_89] : memref<3x128xi32, #tpu.memory_space<vmem>> -> memref<1x128xi32, #tpu.memory_space<vmem>>
        %dma_wait3A_91 = tpu.memref_squeeze %dma_wait3A_90 : memref<1x128xi32, #tpu.memory_space<vmem>> -> memref<128xi32, #tpu.memory_space<vmem>>
        %dma_wait3A_92 = tpu.memref_slice %arg6[%add3A_24] : memref<401408xi32, #tpu.memory_space<hbm>> -> memref<128xi32, #tpu.memory_space<hbm>>
        %dma_wait3A_93 = arith.constant 0 : i32
        %dma_wait3A_94 = tpu.memref_slice %arg10[%run_scoped3A_25, %dma_wait3A_93] : memref<3x128xi32, #tpu.memory_space<vmem>> -> memref<1x128xi32, #tpu.memory_space<vmem>>
        %dma_wait3A_95 = tpu.memref_squeeze %dma_wait3A_94 : memref<1x128xi32, #tpu.memory_space<vmem>> -> memref<128xi32, #tpu.memory_space<vmem>>
        %dma_wait3A_96 = tpu.memref_slice %arg6[%add3A_24] : memref<401408xi32, #tpu.memory_space<hbm>> -> memref<128xi32, #tpu.memory_space<hbm>>
        tpu.wait_dma2 semaphore(%run_scoped3A_80 : memref<!tpu.dma_semaphore, #tpu.memory_space<semaphore_mem>>) src(%dma_wait3A_96 : memref<128xi32, #tpu.memory_space<hbm>>) dst(%dma_wait3A_95 : memref<128xi32, #tpu.memory_space<vmem>>)
        tpu.yield
      }) : () -> ()
      %dma_start3A = arith.constant 0 : i32
      %dma_start3A_26 = arith.constant 0 : i32
      %dma_start3A_27 = arith.constant 0 : i32
      %dma_start3A_28 = arith.constant 0 : i32
      %dma_start3A_29 = tpu.memref_slice %arg11[%dma_start3A_26, %dma_start3A_27, %dma_start3A_28] : memref<3x128x64xf32, #tpu.memory_space<vmem>> -> memref<1x128x64xf32, #tpu.memory_space<vmem>>
      %dma_start3A_30 = tpu.memref_squeeze %dma_start3A_29 : memref<1x128x64xf32, #tpu.memory_space<vmem>> -> memref<128x64xf32, #tpu.memory_space<vmem>>
      %dma_start3A_31 = arith.constant 0 : i32
      %dma_start3A_32 = tpu.memref_slice %arg10[%dma_start3A, %dma_start3A_31] : memref<3x128xi32, #tpu.memory_space<vmem>> -> memref<1x128xi32, #tpu.memory_space<vmem>>
      %dma_start3A_33 = tpu.memref_squeeze %dma_start3A_32 : memref<1x128xi32, #tpu.memory_space<vmem>> -> memref<128xi32, #tpu.memory_space<vmem>>
      %dma_start3A_34 = arith.constant 0 : i32
      %dma_start3A_35 = arith.constant 0 : i32
      %dma_start3A_36 = tpu.memref_slice %arg2[%dma_start3A_34, %dma_start3A_35] : memref<50176x64xf32, #tpu.memory_space<hbm>> -> memref<50176x64xf32, #tpu.memory_space<hbm>>
      tpu.enqueue_indirect_dma source(%dma_start3A_36 : memref<50176x64xf32, #tpu.memory_space<hbm>>) target(%dma_start3A_30 : memref<128x64xf32, #tpu.memory_space<vmem>>) offsets(%dma_start3A_33 : memref<128xi32, #tpu.memory_space<vmem>>) semaphore(%arg14 : memref<!tpu.dma_semaphore, #tpu.memory_space<semaphore_mem>>)
      %dma_start3A_37 = arith.constant 1 : i32
      %dma_start3A_38 = arith.constant 1 : i32
      %dma_start3A_39 = arith.constant 0 : i32
      %dma_start3A_40 = arith.constant 0 : i32
      %dma_start3A_41 = tpu.memref_slice %arg11[%dma_start3A_38, %dma_start3A_39, %dma_start3A_40] : memref<3x128x64xf32, #tpu.memory_space<vmem>> -> memref<1x128x64xf32, #tpu.memory_space<vmem>>
      %dma_start3A_42 = tpu.memref_squeeze %dma_start3A_41 : memref<1x128x64xf32, #tpu.memory_space<vmem>> -> memref<128x64xf32, #tpu.memory_space<vmem>>
      %dma_start3A_43 = arith.constant 0 : i32
      %dma_start3A_44 = tpu.memref_slice %arg10[%dma_start3A_37, %dma_start3A_43] : memref<3x128xi32, #tpu.memory_space<vmem>> -> memref<1x128xi32, #tpu.memory_space<vmem>>
      %dma_start3A_45 = tpu.memref_squeeze %dma_start3A_44 : memref<1x128xi32, #tpu.memory_space<vmem>> -> memref<128xi32, #tpu.memory_space<vmem>>
      %dma_start3A_46 = arith.constant 0 : i32
      %dma_start3A_47 = arith.constant 0 : i32
      %dma_start3A_48 = tpu.memref_slice %arg2[%dma_start3A_46, %dma_start3A_47] : memref<50176x64xf32, #tpu.memory_space<hbm>> -> memref<50176x64xf32, #tpu.memory_space<hbm>>
      tpu.enqueue_indirect_dma source(%dma_start3A_48 : memref<50176x64xf32, #tpu.memory_space<hbm>>) target(%dma_start3A_42 : memref<128x64xf32, #tpu.memory_space<vmem>>) offsets(%dma_start3A_45 : memref<128xi32, #tpu.memory_space<vmem>>) semaphore(%arg14 : memref<!tpu.dma_semaphore, #tpu.memory_space<semaphore_mem>>)
      "tpu.region"() ({
        %run_scoped3A_80 = tpu.sem_alloc : memref<!tpu.dma_semaphore, #tpu.memory_space<semaphore_mem>>
        %dma_start3A_81 = arith.constant 0 : i32
        %dma_start3A_82 = tpu.memref_slice %arg4[%add3A_20, %dma_start3A_81] : memref<200704x64xf32, #tpu.memory_space<hbm>> -> memref<128x64xf32, #tpu.memory_space<hbm>>
        %dma_start3A_83 = arith.constant 0 : i32
        %dma_start3A_84 = tpu.memref_slice %arg4[%add3A_20, %dma_start3A_83] : memref<200704x64xf32, #tpu.memory_space<hbm>> -> memref<128x64xf32, #tpu.memory_space<hbm>>
        tpu.enqueue_dma source(%dma_start3A_84 : memref<128x64xf32, #tpu.memory_space<hbm>>) target(%arg12 : memref<128x64xf32, #tpu.memory_space<vmem>>) target_semaphore(%run_scoped3A_80 : memref<!tpu.dma_semaphore, #tpu.memory_space<semaphore_mem>>)
        %dma_wait3A_85 = arith.constant 0 : i32
        %dma_wait3A_86 = tpu.memref_slice %arg4[%add3A_20, %dma_wait3A_85] : memref<200704x64xf32, #tpu.memory_space<hbm>> -> memref<128x64xf32, #tpu.memory_space<hbm>>
        %dma_wait3A_87 = arith.constant 0 : i32
        %dma_wait3A_88 = tpu.memref_slice %arg4[%add3A_20, %dma_wait3A_87] : memref<200704x64xf32, #tpu.memory_space<hbm>> -> memref<128x64xf32, #tpu.memory_space<hbm>>
        tpu.wait_dma2 semaphore(%run_scoped3A_80 : memref<!tpu.dma_semaphore, #tpu.memory_space<semaphore_mem>>) src(%dma_wait3A_88 : memref<128x64xf32, #tpu.memory_space<hbm>>) dst(%arg12 : memref<128x64xf32, #tpu.memory_space<vmem>>)
        tpu.yield
      }) : () -> ()
      %dma_wait3A = arith.constant 0 : i32
      %dma_wait3A_49 = arith.constant 0 : i32
      %dma_wait3A_50 = arith.constant 0 : i32
      %dma_wait3A_51 = arith.constant 0 : i32
      %dma_wait3A_52 = tpu.memref_slice %arg11[%dma_wait3A_49, %dma_wait3A_50, %dma_wait3A_51] : memref<3x128x64xf32, #tpu.memory_space<vmem>> -> memref<1x128x64xf32, #tpu.memory_space<vmem>>
      %dma_wait3A_53 = tpu.memref_squeeze %dma_wait3A_52 : memref<1x128x64xf32, #tpu.memory_space<vmem>> -> memref<128x64xf32, #tpu.memory_space<vmem>>
      %dma_wait3A_54 = arith.constant 0 : i32
      %dma_wait3A_55 = tpu.memref_slice %arg10[%dma_wait3A, %dma_wait3A_54] : memref<3x128xi32, #tpu.memory_space<vmem>> -> memref<1x128xi32, #tpu.memory_space<vmem>>
      %dma_wait3A_56 = tpu.memref_squeeze %dma_wait3A_55 : memref<1x128xi32, #tpu.memory_space<vmem>> -> memref<128xi32, #tpu.memory_space<vmem>>
      %dma_wait3A_57 = arith.constant 0 : i32
      %dma_wait3A_58 = arith.constant 0 : i32
      %dma_wait3A_59 = tpu.memref_slice %arg2[%dma_wait3A_57, %dma_wait3A_58] : memref<50176x64xf32, #tpu.memory_space<hbm>> -> memref<50176x64xf32, #tpu.memory_space<hbm>>
      tpu.wait_indirect_dma semaphore(%arg14 : memref<!tpu.dma_semaphore, #tpu.memory_space<semaphore_mem>>) src(%dma_wait3A_59 : memref<50176x64xf32, #tpu.memory_space<hbm>>) dst(%dma_wait3A_53 : memref<128x64xf32, #tpu.memory_space<vmem>>)
      %dma_wait3A_60 = arith.constant 1 : i32
      %dma_wait3A_61 = arith.constant 1 : i32
      %dma_wait3A_62 = arith.constant 0 : i32
      %dma_wait3A_63 = arith.constant 0 : i32
      %dma_wait3A_64 = tpu.memref_slice %arg11[%dma_wait3A_61, %dma_wait3A_62, %dma_wait3A_63] : memref<3x128x64xf32, #tpu.memory_space<vmem>> -> memref<1x128x64xf32, #tpu.memory_space<vmem>>
      %dma_wait3A_65 = tpu.memref_squeeze %dma_wait3A_64 : memref<1x128x64xf32, #tpu.memory_space<vmem>> -> memref<128x64xf32, #tpu.memory_space<vmem>>
      %dma_wait3A_66 = arith.constant 0 : i32
      %dma_wait3A_67 = tpu.memref_slice %arg10[%dma_wait3A_60, %dma_wait3A_66] : memref<3x128xi32, #tpu.memory_space<vmem>> -> memref<1x128xi32, #tpu.memory_space<vmem>>
      %dma_wait3A_68 = tpu.memref_squeeze %dma_wait3A_67 : memref<1x128xi32, #tpu.memory_space<vmem>> -> memref<128xi32, #tpu.memory_space<vmem>>
      %dma_wait3A_69 = arith.constant 0 : i32
      %dma_wait3A_70 = arith.constant 0 : i32
      %dma_wait3A_71 = tpu.memref_slice %arg2[%dma_wait3A_69, %dma_wait3A_70] : memref<50176x64xf32, #tpu.memory_space<hbm>> -> memref<50176x64xf32, #tpu.memory_space<hbm>>
      tpu.wait_indirect_dma semaphore(%arg14 : memref<!tpu.dma_semaphore, #tpu.memory_space<semaphore_mem>>) src(%dma_wait3A_71 : memref<50176x64xf32, #tpu.memory_space<hbm>>) dst(%dma_wait3A_65 : memref<128x64xf32, #tpu.memory_space<vmem>>)
      %scan3A_72 = arith.constant 0 : i32
      %scan3A_73 = arith.constant 0 : i32
      %scan3A_74 = arith.constant 128 : i32
      %scan3A_75 = arith.addi %scan3A_73, %scan3A_74 : i32
      %scan3A_76 = arith.constant 1 : i32
      %scan3A_77 = scf.for %scan3A_80 = %scan3A_73 to %scan3A_75 step %scan3A_76 iter_args(%scan3A_81 = %scan3A_72) -> (i32)  : i32 {
        %get3A = arith.constant 0 : i32
        %get3A_82 = arith.index_cast %get3A : i32 to index
        %get3A_83 = arith.index_cast %scan3A_80 : i32 to index
        %get3A_84 = arith.constant 0 : index
        %get3A_85 = tpu.vector_load %arg11[%get3A_82, %get3A_83, %get3A_84] {strides = array<i32>} : memref<3x128x64xf32, #tpu.memory_space<vmem>>, vector<1x1x16xf32>,
        %get3A_86 = vector.shape_cast %get3A_85 : vector<1x1x16xf32> to vector<16xf32>
        %get3A_87 = arith.constant 1 : i32
        %get3A_88 = arith.index_cast %get3A_87 : i32 to index
        %get3A_89 = arith.index_cast %scan3A_80 : i32 to index
        %get3A_90 = arith.constant 0 : index
        %get3A_91 = tpu.vector_load %arg11[%get3A_88, %get3A_89, %get3A_90] {strides = array<i32>} : memref<3x128x64xf32, #tpu.memory_space<vmem>>, vector<1x1x16xf32>,
        %get3A_92 = vector.shape_cast %get3A_91 : vector<1x1x16xf32> to vector<16xf32>
        %max3A = arith.maximumf %get3A_86, %get3A_92 : vector<16xf32>
        %get3A_93 = arith.index_cast %scan3A_80 : i32 to index
        %get3A_94 = arith.constant 0 : index
        %get3A_95 = tpu.vector_load %arg12[%get3A_93, %get3A_94] {strides = array<i32>} : memref<128x64xf32, #tpu.memory_space<vmem>>, vector<1x16xf32>,
        %get3A_96 = vector.shape_cast %get3A_95 : vector<1x16xf32> to vector<16xf32>
        %add3A_97 = arith.addf %max3A, %get3A_96 : vector<16xf32>
        %max3A_98 = arith.constant 0.000000e+00 : f32
        %max3A_99 = vector.broadcast %max3A_98 : f32 to vector<16xf32>
        %max3A_100 = arith.maximumf %add3A_97, %max3A_99 : vector<16xf32>
        %swap3A = arith.index_cast %scan3A_80 : i32 to index
        %swap3A_101 = arith.constant 0 : index
        %swap3A_102 = tpu.vector_load %arg13[%swap3A, %swap3A_101] {strides = array<i32>} : memref<128x64xf32, #tpu.memory_space<vmem>>, vector<1x16xf32>,
        %swap3A_103 = vector.shape_cast %swap3A_102 : vector<1x16xf32> to vector<16xf32>
        %swap3A_104 = vector.shape_cast %max3A_100 : vector<16xf32> to vector<1x16xf32>
        tpu.vector_store %arg13[%swap3A, %swap3A_101], %swap3A_104 {strides = array<i32>} : memref<128x64xf32, #tpu.memory_space<vmem>>, vector<1x16xf32>,
        %get3A_105 = arith.constant 0 : i32
        %get3A_106 = arith.index_cast %get3A_105 : i32 to index
        %get3A_107 = arith.index_cast %scan3A_80 : i32 to index
        %get3A_108 = arith.constant 16 : index
        %get3A_109 = tpu.vector_load %arg11[%get3A_106, %get3A_107, %get3A_108] {strides = array<i32>} : memref<3x128x64xf32, #tpu.memory_space<vmem>>, vector<1x1x16xf32>,
        %get3A_110 = vector.shape_cast %get3A_109 : vector<1x1x16xf32> to vector<16xf32>
        %get3A_111 = arith.constant 1 : i32
        %get3A_112 = arith.index_cast %get3A_111 : i32 to index
        %get3A_113 = arith.index_cast %scan3A_80 : i32 to index
        %get3A_114 = arith.constant 16 : index
        %get3A_115 = tpu.vector_load %arg11[%get3A_112, %get3A_113, %get3A_114] {strides = array<i32>} : memref<3x128x64xf32, #tpu.memory_space<vmem>>, vector<1x1x16xf32>,
        %get3A_116 = vector.shape_cast %get3A_115 : vector<1x1x16xf32> to vector<16xf32>
        %max3A_117 = arith.maximumf %get3A_110, %get3A_116 : vector<16xf32>
        %get3A_118 = arith.index_cast %scan3A_80 : i32 to index
        %get3A_119 = arith.constant 16 : index
        %get3A_120 = tpu.vector_load %arg12[%get3A_118, %get3A_119] {strides = array<i32>} : memref<128x64xf32, #tpu.memory_space<vmem>>, vector<1x16xf32>,
        %get3A_121 = vector.shape_cast %get3A_120 : vector<1x16xf32> to vector<16xf32>
        %add3A_122 = arith.addf %max3A_117, %get3A_121 : vector<16xf32>
        %max3A_123 = arith.constant 0.000000e+00 : f32
        %max3A_124 = vector.broadcast %max3A_123 : f32 to vector<16xf32>
        %max3A_125 = arith.maximumf %add3A_122, %max3A_124 : vector<16xf32>
        %swap3A_126 = arith.index_cast %scan3A_80 : i32 to index
        %swap3A_127 = arith.constant 16 : index
        %swap3A_128 = tpu.vector_load %arg13[%swap3A_126, %swap3A_127] {strides = array<i32>} : memref<128x64xf32, #tpu.memory_space<vmem>>, vector<1x16xf32>,
        %swap3A_129 = vector.shape_cast %swap3A_128 : vector<1x16xf32> to vector<16xf32>
        %swap3A_130 = vector.shape_cast %max3A_125 : vector<16xf32> to vector<1x16xf32>
        tpu.vector_store %arg13[%swap3A_126, %swap3A_127], %swap3A_130 {strides = array<i32>} : memref<128x64xf32, #tpu.memory_space<vmem>>, vector<1x16xf32>,
        %get3A_131 = arith.constant 0 : i32
        %get3A_132 = arith.index_cast %get3A_131 : i32 to index
        %get3A_133 = arith.index_cast %scan3A_80 : i32 to index
        %get3A_134 = arith.constant 32 : index
        %get3A_135 = tpu.vector_load %arg11[%get3A_132, %get3A_133, %get3A_134] {strides = array<i32>} : memref<3x128x64xf32, #tpu.memory_space<vmem>>, vector<1x1x16xf32>,
        %get3A_136 = vector.shape_cast %get3A_135 : vector<1x1x16xf32> to vector<16xf32>
        %get3A_137 = arith.constant 1 : i32
        %get3A_138 = arith.index_cast %get3A_137 : i32 to index
        %get3A_139 = arith.index_cast %scan3A_80 : i32 to index
        %get3A_140 = arith.constant 32 : index
        %get3A_141 = tpu.vector_load %arg11[%get3A_138, %get3A_139, %get3A_140] {strides = array<i32>} : memref<3x128x64xf32, #tpu.memory_space<vmem>>, vector<1x1x16xf32>,
        %get3A_142 = vector.shape_cast %get3A_141 : vector<1x1x16xf32> to vector<16xf32>
        %max3A_143 = arith.maximumf %get3A_136, %get3A_142 : vector<16xf32>
        %get3A_144 = arith.index_cast %scan3A_80 : i32 to index
        %get3A_145 = arith.constant 32 : index
        %get3A_146 = tpu.vector_load %arg12[%get3A_144, %get3A_145] {strides = array<i32>} : memref<128x64xf32, #tpu.memory_space<vmem>>, vector<1x16xf32>,
        %get3A_147 = vector.shape_cast %get3A_146 : vector<1x16xf32> to vector<16xf32>
        %add3A_148 = arith.addf %max3A_143, %get3A_147 : vector<16xf32>
        %max3A_149 = arith.constant 0.000000e+00 : f32
        %max3A_150 = vector.broadcast %max3A_149 : f32 to vector<16xf32>
        %max3A_151 = arith.maximumf %add3A_148, %max3A_150 : vector<16xf32>
        %swap3A_152 = arith.index_cast %scan3A_80 : i32 to index
        %swap3A_153 = arith.constant 32 : index
        %swap3A_154 = tpu.vector_load %arg13[%swap3A_152, %swap3A_153] {strides = array<i32>} : memref<128x64xf32, #tpu.memory_space<vmem>>, vector<1x16xf32>,
        %swap3A_155 = vector.shape_cast %swap3A_154 : vector<1x16xf32> to vector<16xf32>
        %swap3A_156 = vector.shape_cast %max3A_151 : vector<16xf32> to vector<1x16xf32>
        tpu.vector_store %arg13[%swap3A_152, %swap3A_153], %swap3A_156 {strides = array<i32>} : memref<128x64xf32, #tpu.memory_space<vmem>>, vector<1x16xf32>,
        %get3A_157 = arith.constant 0 : i32
        %get3A_158 = arith.index_cast %get3A_157 : i32 to index
        %get3A_159 = arith.index_cast %scan3A_80 : i32 to index
        %get3A_160 = arith.constant 48 : index
        %get3A_161 = tpu.vector_load %arg11[%get3A_158, %get3A_159, %get3A_160] {strides = array<i32>} : memref<3x128x64xf32, #tpu.memory_space<vmem>>, vector<1x1x16xf32>,
        %get3A_162 = vector.shape_cast %get3A_161 : vector<1x1x16xf32> to vector<16xf32>
        %get3A_163 = arith.constant 1 : i32
        %get3A_164 = arith.index_cast %get3A_163 : i32 to index
        %get3A_165 = arith.index_cast %scan3A_80 : i32 to index
        %get3A_166 = arith.constant 48 : index
        %get3A_167 = tpu.vector_load %arg11[%get3A_164, %get3A_165, %get3A_166] {strides = array<i32>} : memref<3x128x64xf32, #tpu.memory_space<vmem>>, vector<1x1x16xf32>,
        %get3A_168 = vector.shape_cast %get3A_167 : vector<1x1x16xf32> to vector<16xf32>
        %max3A_169 = arith.maximumf %get3A_162, %get3A_168 : vector<16xf32>
        %get3A_170 = arith.index_cast %scan3A_80 : i32 to index
        %get3A_171 = arith.constant 48 : index
        %get3A_172 = tpu.vector_load %arg12[%get3A_170, %get3A_171] {strides = array<i32>} : memref<128x64xf32, #tpu.memory_space<vmem>>, vector<1x16xf32>,
        %get3A_173 = vector.shape_cast %get3A_172 : vector<1x16xf32> to vector<16xf32>
        %add3A_174 = arith.addf %max3A_169, %get3A_173 : vector<16xf32>
        %max3A_175 = arith.constant 0.000000e+00 : f32
        %max3A_176 = vector.broadcast %max3A_175 : f32 to vector<16xf32>
        %max3A_177 = arith.maximumf %add3A_174, %max3A_176 : vector<16xf32>
        %swap3A_178 = arith.index_cast %scan3A_80 : i32 to index
        %swap3A_179 = arith.constant 48 : index
        %swap3A_180 = tpu.vector_load %arg13[%swap3A_178, %swap3A_179] {strides = array<i32>} : memref<128x64xf32, #tpu.memory_space<vmem>>, vector<1x16xf32>,
        %swap3A_181 = vector.shape_cast %swap3A_180 : vector<1x16xf32> to vector<16xf32>
        %swap3A_182 = vector.shape_cast %max3A_177 : vector<16xf32> to vector<1x16xf32>
        tpu.vector_store %arg13[%swap3A_178, %swap3A_179], %swap3A_182 {strides = array<i32>} : memref<128x64xf32, #tpu.memory_space<vmem>>, vector<1x16xf32>,
        %scan3A_183 = arith.constant 0 : i32
        scf.yield %scan3A_183 : i32
      }
      %scan3A_78 = arith.constant 128 : i32
      "tpu.region"() ({
        %run_scoped3A_80 = tpu.sem_alloc : memref<!tpu.dma_semaphore, #tpu.memory_space<semaphore_mem>>
        %dma_start3A_81 = arith.constant 0 : i32
        %dma_start3A_82 = tpu.memref_slice %arg8[%add3A_20, %dma_start3A_81] : memref<200704x64xf32, #tpu.memory_space<hbm>> -> memref<128x64xf32, #tpu.memory_space<hbm>>
        %dma_start3A_83 = arith.constant 0 : i32
        %dma_start3A_84 = tpu.memref_slice %arg8[%add3A_20, %dma_start3A_83] : memref<200704x64xf32, #tpu.memory_space<hbm>> -> memref<128x64xf32, #tpu.memory_space<hbm>>
        tpu.enqueue_dma source(%arg13 : memref<128x64xf32, #tpu.memory_space<vmem>>) target(%dma_start3A_84 : memref<128x64xf32, #tpu.memory_space<hbm>>) target_semaphore(%run_scoped3A_80 : memref<!tpu.dma_semaphore, #tpu.memory_space<semaphore_mem>>)
        %dma_wait3A_85 = arith.constant 0 : i32
        %dma_wait3A_86 = tpu.memref_slice %arg8[%add3A_20, %dma_wait3A_85] : memref<200704x64xf32, #tpu.memory_space<hbm>> -> memref<128x64xf32, #tpu.memory_space<hbm>>
        %dma_wait3A_87 = arith.constant 0 : i32
        %dma_wait3A_88 = tpu.memref_slice %arg8[%add3A_20, %dma_wait3A_87] : memref<200704x64xf32, #tpu.memory_space<hbm>> -> memref<128x64xf32, #tpu.memory_space<hbm>>
        tpu.wait_dma2 semaphore(%run_scoped3A_80 : memref<!tpu.dma_semaphore, #tpu.memory_space<semaphore_mem>>) src(%arg13 : memref<128x64xf32, #tpu.memory_space<vmem>>) dst(%dma_wait3A_88 : memref<128x64xf32, #tpu.memory_space<hbm>>)
        tpu.yield
      }) : () -> ()
      %scan3A_79 = arith.constant 0 : i32
      scf.yield %scan3A_79 : i32
    }
    %scan3A_8 = arith.constant 49 : i32
    %scan3A_9 = arith.constant 0 : i32
    %scan3A_10 = arith.constant 0 : i32
    %scan3A_11 = arith.constant 49 : i32
    %scan3A_12 = arith.addi %scan3A_10, %scan3A_11 : i32
    %scan3A_13 = arith.constant 1 : i32
    %scan3A_14 = scf.for %scan3A_16 = %scan3A_10 to %scan3A_12 step %scan3A_13 iter_args(%scan3A_17 = %scan3A_9) -> (i32)  : i32 {
      %mul3A_18 = arith.constant 128 : i32
      %mul3A_19 = arith.muli %scan3A_16, %mul3A_18 : i32
      %add3A_20 = arith.addi %mul3A_2, %mul3A_19 : i32
      %add3A_21 = arith.constant 0 : i32
      %add3A_22 = arith.addi %add3A_21, %add3A_20 : i32
      %run_scoped3A = arith.constant 0 : i32
      "tpu.region"() ({
        %run_scoped3A_107 = tpu.sem_alloc : memref<!tpu.dma_semaphore, #tpu.memory_space<semaphore_mem>>
        %dma_start3A_108 = arith.constant 0 : i32
        %dma_start3A_109 = tpu.memref_slice %arg10[%run_scoped3A, %dma_start3A_108] : memref<3x128xi32, #tpu.memory_space<vmem>> -> memref<1x128xi32, #tpu.memory_space<vmem>>
        %dma_start3A_110 = tpu.memref_squeeze %dma_start3A_109 : memref<1x128xi32, #tpu.memory_space<vmem>> -> memref<128xi32, #tpu.memory_space<vmem>>
        %dma_start3A_111 = tpu.memref_slice %arg7[%add3A_22] : memref<602112xi32, #tpu.memory_space<hbm>> -> memref<128xi32, #tpu.memory_space<hbm>>
        %dma_start3A_112 = arith.constant 0 : i32
        %dma_start3A_113 = tpu.memref_slice %arg10[%run_scoped3A, %dma_start3A_112] : memref<3x128xi32, #tpu.memory_space<vmem>> -> memref<1x128xi32, #tpu.memory_space<vmem>>
        %dma_start3A_114 = tpu.memref_squeeze %dma_start3A_113 : memref<1x128xi32, #tpu.memory_space<vmem>> -> memref<128xi32, #tpu.memory_space<vmem>>
        %dma_start3A_115 = tpu.memref_slice %arg7[%add3A_22] : memref<602112xi32, #tpu.memory_space<hbm>> -> memref<128xi32, #tpu.memory_space<hbm>>
        tpu.enqueue_dma source(%dma_start3A_115 : memref<128xi32, #tpu.memory_space<hbm>>) target(%dma_start3A_114 : memref<128xi32, #tpu.memory_space<vmem>>) target_semaphore(%run_scoped3A_107 : memref<!tpu.dma_semaphore, #tpu.memory_space<semaphore_mem>>)
        %dma_wait3A_116 = arith.constant 0 : i32
        %dma_wait3A_117 = tpu.memref_slice %arg10[%run_scoped3A, %dma_wait3A_116] : memref<3x128xi32, #tpu.memory_space<vmem>> -> memref<1x128xi32, #tpu.memory_space<vmem>>
        %dma_wait3A_118 = tpu.memref_squeeze %dma_wait3A_117 : memref<1x128xi32, #tpu.memory_space<vmem>> -> memref<128xi32, #tpu.memory_space<vmem>>
        %dma_wait3A_119 = tpu.memref_slice %arg7[%add3A_22] : memref<602112xi32, #tpu.memory_space<hbm>> -> memref<128xi32, #tpu.memory_space<hbm>>
        %dma_wait3A_120 = arith.constant 0 : i32
        %dma_wait3A_121 = tpu.memref_slice %arg10[%run_scoped3A, %dma_wait3A_120] : memref<3x128xi32, #tpu.memory_space<vmem>> -> memref<1x128xi32, #tpu.memory_space<vmem>>
        %dma_wait3A_122 = tpu.memref_squeeze %dma_wait3A_121 : memref<1x128xi32, #tpu.memory_space<vmem>> -> memref<128xi32, #tpu.memory_space<vmem>>
        %dma_wait3A_123 = tpu.memref_slice %arg7[%add3A_22] : memref<602112xi32, #tpu.memory_space<hbm>> -> memref<128xi32, #tpu.memory_space<hbm>>
        tpu.wait_dma2 semaphore(%run_scoped3A_107 : memref<!tpu.dma_semaphore, #tpu.memory_space<semaphore_mem>>) src(%dma_wait3A_123 : memref<128xi32, #tpu.memory_space<hbm>>) dst(%dma_wait3A_122 : memref<128xi32, #tpu.memory_space<vmem>>)
        tpu.yield
      }) : () -> ()
      %add3A_23 = arith.constant 200704 : i32
      %add3A_24 = arith.addi %add3A_23, %add3A_20 : i32
      %run_scoped3A_25 = arith.constant 1 : i32
      "tpu.region"() ({
        %run_scoped3A_107 = tpu.sem_alloc : memref<!tpu.dma_semaphore, #tpu.memory_space<semaphore_mem>>
        %dma_start3A_108 = arith.constant 0 : i32
        %dma_start3A_109 = tpu.memref_slice %arg10[%run_scoped3A_25, %dma_start3A_108] : memref<3x128xi32, #tpu.memory_space<vmem>> -> memref<1x128xi32, #tpu.memory_space<vmem>>
        %dma_start3A_110 = tpu.memref_squeeze %dma_start3A_109 : memref<1x128xi32, #tpu.memory_space<vmem>> -> memref<128xi32, #tpu.memory_space<vmem>>
        %dma_start3A_111 = tpu.memref_slice %arg7[%add3A_24] : memref<602112xi32, #tpu.memory_space<hbm>> -> memref<128xi32, #tpu.memory_space<hbm>>
        %dma_start3A_112 = arith.constant 0 : i32
        %dma_start3A_113 = tpu.memref_slice %arg10[%run_scoped3A_25, %dma_start3A_112] : memref<3x128xi32, #tpu.memory_space<vmem>> -> memref<1x128xi32, #tpu.memory_space<vmem>>
        %dma_start3A_114 = tpu.memref_squeeze %dma_start3A_113 : memref<1x128xi32, #tpu.memory_space<vmem>> -> memref<128xi32, #tpu.memory_space<vmem>>
        %dma_start3A_115 = tpu.memref_slice %arg7[%add3A_24] : memref<602112xi32, #tpu.memory_space<hbm>> -> memref<128xi32, #tpu.memory_space<hbm>>
        tpu.enqueue_dma source(%dma_start3A_115 : memref<128xi32, #tpu.memory_space<hbm>>) target(%dma_start3A_114 : memref<128xi32, #tpu.memory_space<vmem>>) target_semaphore(%run_scoped3A_107 : memref<!tpu.dma_semaphore, #tpu.memory_space<semaphore_mem>>)
        %dma_wait3A_116 = arith.constant 0 : i32
        %dma_wait3A_117 = tpu.memref_slice %arg10[%run_scoped3A_25, %dma_wait3A_116] : memref<3x128xi32, #tpu.memory_space<vmem>> -> memref<1x128xi32, #tpu.memory_space<vmem>>
        %dma_wait3A_118 = tpu.memref_squeeze %dma_wait3A_117 : memref<1x128xi32, #tpu.memory_space<vmem>> -> memref<128xi32, #tpu.memory_space<vmem>>
        %dma_wait3A_119 = tpu.memref_slice %arg7[%add3A_24] : memref<602112xi32, #tpu.memory_space<hbm>> -> memref<128xi32, #tpu.memory_space<hbm>>
        %dma_wait3A_120 = arith.constant 0 : i32
        %dma_wait3A_121 = tpu.memref_slice %arg10[%run_scoped3A_25, %dma_wait3A_120] : memref<3x128xi32, #tpu.memory_space<vmem>> -> memref<1x128xi32, #tpu.memory_space<vmem>>
        %dma_wait3A_122 = tpu.memref_squeeze %dma_wait3A_121 : memref<1x128xi32, #tpu.memory_space<vmem>> -> memref<128xi32, #tpu.memory_space<vmem>>
        %dma_wait3A_123 = tpu.memref_slice %arg7[%add3A_24] : memref<602112xi32, #tpu.memory_space<hbm>> -> memref<128xi32, #tpu.memory_space<hbm>>
        tpu.wait_dma2 semaphore(%run_scoped3A_107 : memref<!tpu.dma_semaphore, #tpu.memory_space<semaphore_mem>>) src(%dma_wait3A_123 : memref<128xi32, #tpu.memory_space<hbm>>) dst(%dma_wait3A_122 : memref<128xi32, #tpu.memory_space<vmem>>)
        tpu.yield
      }) : () -> ()
      %add3A_26 = arith.constant 401408 : i32
      %add3A_27 = arith.addi %add3A_26, %add3A_20 : i32
      %run_scoped3A_28 = arith.constant 2 : i32
      "tpu.region"() ({
        %run_scoped3A_107 = tpu.sem_alloc : memref<!tpu.dma_semaphore, #tpu.memory_space<semaphore_mem>>
        %dma_start3A_108 = arith.constant 0 : i32
        %dma_start3A_109 = tpu.memref_slice %arg10[%run_scoped3A_28, %dma_start3A_108] : memref<3x128xi32, #tpu.memory_space<vmem>> -> memref<1x128xi32, #tpu.memory_space<vmem>>
        %dma_start3A_110 = tpu.memref_squeeze %dma_start3A_109 : memref<1x128xi32, #tpu.memory_space<vmem>> -> memref<128xi32, #tpu.memory_space<vmem>>
        %dma_start3A_111 = tpu.memref_slice %arg7[%add3A_27] : memref<602112xi32, #tpu.memory_space<hbm>> -> memref<128xi32, #tpu.memory_space<hbm>>
        %dma_start3A_112 = arith.constant 0 : i32
        %dma_start3A_113 = tpu.memref_slice %arg10[%run_scoped3A_28, %dma_start3A_112] : memref<3x128xi32, #tpu.memory_space<vmem>> -> memref<1x128xi32, #tpu.memory_space<vmem>>
        %dma_start3A_114 = tpu.memref_squeeze %dma_start3A_113 : memref<1x128xi32, #tpu.memory_space<vmem>> -> memref<128xi32, #tpu.memory_space<vmem>>
        %dma_start3A_115 = tpu.memref_slice %arg7[%add3A_27] : memref<602112xi32, #tpu.memory_space<hbm>> -> memref<128xi32, #tpu.memory_space<hbm>>
        tpu.enqueue_dma source(%dma_start3A_115 : memref<128xi32, #tpu.memory_space<hbm>>) target(%dma_start3A_114 : memref<128xi32, #tpu.memory_space<vmem>>) target_semaphore(%run_scoped3A_107 : memref<!tpu.dma_semaphore, #tpu.memory_space<semaphore_mem>>)
        %dma_wait3A_116 = arith.constant 0 : i32
        %dma_wait3A_117 = tpu.memref_slice %arg10[%run_scoped3A_28, %dma_wait3A_116] : memref<3x128xi32, #tpu.memory_space<vmem>> -> memref<1x128xi32, #tpu.memory_space<vmem>>
        %dma_wait3A_118 = tpu.memref_squeeze %dma_wait3A_117 : memref<1x128xi32, #tpu.memory_space<vmem>> -> memref<128xi32, #tpu.memory_space<vmem>>
        %dma_wait3A_119 = tpu.memref_slice %arg7[%add3A_27] : memref<602112xi32, #tpu.memory_space<hbm>> -> memref<128xi32, #tpu.memory_space<hbm>>
        %dma_wait3A_120 = arith.constant 0 : i32
        %dma_wait3A_121 = tpu.memref_slice %arg10[%run_scoped3A_28, %dma_wait3A_120] : memref<3x128xi32, #tpu.memory_space<vmem>> -> memref<1x128xi32, #tpu.memory_space<vmem>>
        %dma_wait3A_122 = tpu.memref_squeeze %dma_wait3A_121 : memref<1x128xi32, #tpu.memory_space<vmem>> -> memref<128xi32, #tpu.memory_space<vmem>>
        %dma_wait3A_123 = tpu.memref_slice %arg7[%add3A_27] : memref<602112xi32, #tpu.memory_space<hbm>> -> memref<128xi32, #tpu.memory_space<hbm>>
        tpu.wait_dma2 semaphore(%run_scoped3A_107 : memref<!tpu.dma_semaphore, #tpu.memory_space<semaphore_mem>>) src(%dma_wait3A_123 : memref<128xi32, #tpu.memory_space<hbm>>) dst(%dma_wait3A_122 : memref<128xi32, #tpu.memory_space<vmem>>)
        tpu.yield
      }) : () -> ()
      %dma_start3A = arith.constant 0 : i32
      %dma_start3A_29 = arith.constant 0 : i32
      %dma_start3A_30 = arith.constant 0 : i32
      %dma_start3A_31 = arith.constant 0 : i32
      %dma_start3A_32 = tpu.memref_slice %arg11[%dma_start3A_29, %dma_start3A_30, %dma_start3A_31] : memref<3x128x64xf32, #tpu.memory_space<vmem>> -> memref<1x128x64xf32, #tpu.memory_space<vmem>>
      %dma_start3A_33 = tpu.memref_squeeze %dma_start3A_32 : memref<1x128x64xf32, #tpu.memory_space<vmem>> -> memref<128x64xf32, #tpu.memory_space<vmem>>
      %dma_start3A_34 = arith.constant 0 : i32
      %dma_start3A_35 = tpu.memref_slice %arg10[%dma_start3A, %dma_start3A_34] : memref<3x128xi32, #tpu.memory_space<vmem>> -> memref<1x128xi32, #tpu.memory_space<vmem>>
      %dma_start3A_36 = tpu.memref_squeeze %dma_start3A_35 : memref<1x128xi32, #tpu.memory_space<vmem>> -> memref<128xi32, #tpu.memory_space<vmem>>
      %dma_start3A_37 = arith.constant 0 : i32
      %dma_start3A_38 = arith.constant 0 : i32
      %dma_start3A_39 = tpu.memref_slice %arg3[%dma_start3A_37, %dma_start3A_38] : memref<50176x64xf32, #tpu.memory_space<hbm>> -> memref<50176x64xf32, #tpu.memory_space<hbm>>
      tpu.enqueue_indirect_dma source(%dma_start3A_39 : memref<50176x64xf32, #tpu.memory_space<hbm>>) target(%dma_start3A_33 : memref<128x64xf32, #tpu.memory_space<vmem>>) offsets(%dma_start3A_36 : memref<128xi32, #tpu.memory_space<vmem>>) semaphore(%arg14 : memref<!tpu.dma_semaphore, #tpu.memory_space<semaphore_mem>>)
      %dma_start3A_40 = arith.constant 1 : i32
      %dma_start3A_41 = arith.constant 1 : i32
      %dma_start3A_42 = arith.constant 0 : i32
      %dma_start3A_43 = arith.constant 0 : i32
      %dma_start3A_44 = tpu.memref_slice %arg11[%dma_start3A_41, %dma_start3A_42, %dma_start3A_43] : memref<3x128x64xf32, #tpu.memory_space<vmem>> -> memref<1x128x64xf32, #tpu.memory_space<vmem>>
      %dma_start3A_45 = tpu.memref_squeeze %dma_start3A_44 : memref<1x128x64xf32, #tpu.memory_space<vmem>> -> memref<128x64xf32, #tpu.memory_space<vmem>>
      %dma_start3A_46 = arith.constant 0 : i32
      %dma_start3A_47 = tpu.memref_slice %arg10[%dma_start3A_40, %dma_start3A_46] : memref<3x128xi32, #tpu.memory_space<vmem>> -> memref<1x128xi32, #tpu.memory_space<vmem>>
      %dma_start3A_48 = tpu.memref_squeeze %dma_start3A_47 : memref<1x128xi32, #tpu.memory_space<vmem>> -> memref<128xi32, #tpu.memory_space<vmem>>
      %dma_start3A_49 = arith.constant 0 : i32
      %dma_start3A_50 = arith.constant 0 : i32
      %dma_start3A_51 = tpu.memref_slice %arg3[%dma_start3A_49, %dma_start3A_50] : memref<50176x64xf32, #tpu.memory_space<hbm>> -> memref<50176x64xf32, #tpu.memory_space<hbm>>
      tpu.enqueue_indirect_dma source(%dma_start3A_51 : memref<50176x64xf32, #tpu.memory_space<hbm>>) target(%dma_start3A_45 : memref<128x64xf32, #tpu.memory_space<vmem>>) offsets(%dma_start3A_48 : memref<128xi32, #tpu.memory_space<vmem>>) semaphore(%arg14 : memref<!tpu.dma_semaphore, #tpu.memory_space<semaphore_mem>>)
      %dma_start3A_52 = arith.constant 2 : i32
      %dma_start3A_53 = arith.constant 2 : i32
      %dma_start3A_54 = arith.constant 0 : i32
      %dma_start3A_55 = arith.constant 0 : i32
      %dma_start3A_56 = tpu.memref_slice %arg11[%dma_start3A_53, %dma_start3A_54, %dma_start3A_55] : memref<3x128x64xf32, #tpu.memory_space<vmem>> -> memref<1x128x64xf32, #tpu.memory_space<vmem>>
      %dma_start3A_57 = tpu.memref_squeeze %dma_start3A_56 : memref<1x128x64xf32, #tpu.memory_space<vmem>> -> memref<128x64xf32, #tpu.memory_space<vmem>>
      %dma_start3A_58 = arith.constant 0 : i32
      %dma_start3A_59 = tpu.memref_slice %arg10[%dma_start3A_52, %dma_start3A_58] : memref<3x128xi32, #tpu.memory_space<vmem>> -> memref<1x128xi32, #tpu.memory_space<vmem>>
      %dma_start3A_60 = tpu.memref_squeeze %dma_start3A_59 : memref<1x128xi32, #tpu.memory_space<vmem>> -> memref<128xi32, #tpu.memory_space<vmem>>
      %dma_start3A_61 = arith.constant 0 : i32
      %dma_start3A_62 = arith.constant 0 : i32
      %dma_start3A_63 = tpu.memref_slice %arg3[%dma_start3A_61, %dma_start3A_62] : memref<50176x64xf32, #tpu.memory_space<hbm>> -> memref<50176x64xf32, #tpu.memory_space<hbm>>
      tpu.enqueue_indirect_dma source(%dma_start3A_63 : memref<50176x64xf32, #tpu.memory_space<hbm>>) target(%dma_start3A_57 : memref<128x64xf32, #tpu.memory_space<vmem>>) offsets(%dma_start3A_60 : memref<128xi32, #tpu.memory_space<vmem>>) semaphore(%arg14 : memref<!tpu.dma_semaphore, #tpu.memory_space<semaphore_mem>>)
      "tpu.region"() ({
        %run_scoped3A_107 = tpu.sem_alloc : memref<!tpu.dma_semaphore, #tpu.memory_space<semaphore_mem>>
        %dma_start3A_108 = arith.constant 0 : i32
        %dma_start3A_109 = tpu.memref_slice %arg5[%add3A_20, %dma_start3A_108] : memref<200704x64xf32, #tpu.memory_space<hbm>> -> memref<128x64xf32, #tpu.memory_space<hbm>>
        %dma_start3A_110 = arith.constant 0 : i32
        %dma_start3A_111 = tpu.memref_slice %arg5[%add3A_20, %dma_start3A_110] : memref<200704x64xf32, #tpu.memory_space<hbm>> -> memref<128x64xf32, #tpu.memory_space<hbm>>
        tpu.enqueue_dma source(%dma_start3A_111 : memref<128x64xf32, #tpu.memory_space<hbm>>) target(%arg12 : memref<128x64xf32, #tpu.memory_space<vmem>>) target_semaphore(%run_scoped3A_107 : memref<!tpu.dma_semaphore, #tpu.memory_space<semaphore_mem>>)
        %dma_wait3A_112 = arith.constant 0 : i32
        %dma_wait3A_113 = tpu.memref_slice %arg5[%add3A_20, %dma_wait3A_112] : memref<200704x64xf32, #tpu.memory_space<hbm>> -> memref<128x64xf32, #tpu.memory_space<hbm>>
        %dma_wait3A_114 = arith.constant 0 : i32
        %dma_wait3A_115 = tpu.memref_slice %arg5[%add3A_20, %dma_wait3A_114] : memref<200704x64xf32, #tpu.memory_space<hbm>> -> memref<128x64xf32, #tpu.memory_space<hbm>>
        tpu.wait_dma2 semaphore(%run_scoped3A_107 : memref<!tpu.dma_semaphore, #tpu.memory_space<semaphore_mem>>) src(%dma_wait3A_115 : memref<128x64xf32, #tpu.memory_space<hbm>>) dst(%arg12 : memref<128x64xf32, #tpu.memory_space<vmem>>)
        tpu.yield
      }) : () -> ()
      %dma_wait3A = arith.constant 0 : i32
      %dma_wait3A_64 = arith.constant 0 : i32
      %dma_wait3A_65 = arith.constant 0 : i32
      %dma_wait3A_66 = arith.constant 0 : i32
      %dma_wait3A_67 = tpu.memref_slice %arg11[%dma_wait3A_64, %dma_wait3A_65, %dma_wait3A_66] : memref<3x128x64xf32, #tpu.memory_space<vmem>> -> memref<1x128x64xf32, #tpu.memory_space<vmem>>
      %dma_wait3A_68 = tpu.memref_squeeze %dma_wait3A_67 : memref<1x128x64xf32, #tpu.memory_space<vmem>> -> memref<128x64xf32, #tpu.memory_space<vmem>>
      %dma_wait3A_69 = arith.constant 0 : i32
      %dma_wait3A_70 = tpu.memref_slice %arg10[%dma_wait3A, %dma_wait3A_69] : memref<3x128xi32, #tpu.memory_space<vmem>> -> memref<1x128xi32, #tpu.memory_space<vmem>>
      %dma_wait3A_71 = tpu.memref_squeeze %dma_wait3A_70 : memref<1x128xi32, #tpu.memory_space<vmem>> -> memref<128xi32, #tpu.memory_space<vmem>>
      %dma_wait3A_72 = arith.constant 0 : i32
      %dma_wait3A_73 = arith.constant 0 : i32
      %dma_wait3A_74 = tpu.memref_slice %arg3[%dma_wait3A_72, %dma_wait3A_73] : memref<50176x64xf32, #tpu.memory_space<hbm>> -> memref<50176x64xf32, #tpu.memory_space<hbm>>
      tpu.wait_indirect_dma semaphore(%arg14 : memref<!tpu.dma_semaphore, #tpu.memory_space<semaphore_mem>>) src(%dma_wait3A_74 : memref<50176x64xf32, #tpu.memory_space<hbm>>) dst(%dma_wait3A_68 : memref<128x64xf32, #tpu.memory_space<vmem>>)
      %dma_wait3A_75 = arith.constant 1 : i32
      %dma_wait3A_76 = arith.constant 1 : i32
      %dma_wait3A_77 = arith.constant 0 : i32
      %dma_wait3A_78 = arith.constant 0 : i32
      %dma_wait3A_79 = tpu.memref_slice %arg11[%dma_wait3A_76, %dma_wait3A_77, %dma_wait3A_78] : memref<3x128x64xf32, #tpu.memory_space<vmem>> -> memref<1x128x64xf32, #tpu.memory_space<vmem>>
      %dma_wait3A_80 = tpu.memref_squeeze %dma_wait3A_79 : memref<1x128x64xf32, #tpu.memory_space<vmem>> -> memref<128x64xf32, #tpu.memory_space<vmem>>
      %dma_wait3A_81 = arith.constant 0 : i32
      %dma_wait3A_82 = tpu.memref_slice %arg10[%dma_wait3A_75, %dma_wait3A_81] : memref<3x128xi32, #tpu.memory_space<vmem>> -> memref<1x128xi32, #tpu.memory_space<vmem>>
      %dma_wait3A_83 = tpu.memref_squeeze %dma_wait3A_82 : memref<1x128xi32, #tpu.memory_space<vmem>> -> memref<128xi32, #tpu.memory_space<vmem>>
      %dma_wait3A_84 = arith.constant 0 : i32
      %dma_wait3A_85 = arith.constant 0 : i32
      %dma_wait3A_86 = tpu.memref_slice %arg3[%dma_wait3A_84, %dma_wait3A_85] : memref<50176x64xf32, #tpu.memory_space<hbm>> -> memref<50176x64xf32, #tpu.memory_space<hbm>>
      tpu.wait_indirect_dma semaphore(%arg14 : memref<!tpu.dma_semaphore, #tpu.memory_space<semaphore_mem>>) src(%dma_wait3A_86 : memref<50176x64xf32, #tpu.memory_space<hbm>>) dst(%dma_wait3A_80 : memref<128x64xf32, #tpu.memory_space<vmem>>)
      %dma_wait3A_87 = arith.constant 2 : i32
      %dma_wait3A_88 = arith.constant 2 : i32
      %dma_wait3A_89 = arith.constant 0 : i32
      %dma_wait3A_90 = arith.constant 0 : i32
      %dma_wait3A_91 = tpu.memref_slice %arg11[%dma_wait3A_88, %dma_wait3A_89, %dma_wait3A_90] : memref<3x128x64xf32, #tpu.memory_space<vmem>> -> memref<1x128x64xf32, #tpu.memory_space<vmem>>
      %dma_wait3A_92 = tpu.memref_squeeze %dma_wait3A_91 : memref<1x128x64xf32, #tpu.memory_space<vmem>> -> memref<128x64xf32, #tpu.memory_space<vmem>>
      %dma_wait3A_93 = arith.constant 0 : i32
      %dma_wait3A_94 = tpu.memref_slice %arg10[%dma_wait3A_87, %dma_wait3A_93] : memref<3x128xi32, #tpu.memory_space<vmem>> -> memref<1x128xi32, #tpu.memory_space<vmem>>
      %dma_wait3A_95 = tpu.memref_squeeze %dma_wait3A_94 : memref<1x128xi32, #tpu.memory_space<vmem>> -> memref<128xi32, #tpu.memory_space<vmem>>
      %dma_wait3A_96 = arith.constant 0 : i32
      %dma_wait3A_97 = arith.constant 0 : i32
      %dma_wait3A_98 = tpu.memref_slice %arg3[%dma_wait3A_96, %dma_wait3A_97] : memref<50176x64xf32, #tpu.memory_space<hbm>> -> memref<50176x64xf32, #tpu.memory_space<hbm>>
      tpu.wait_indirect_dma semaphore(%arg14 : memref<!tpu.dma_semaphore, #tpu.memory_space<semaphore_mem>>) src(%dma_wait3A_98 : memref<50176x64xf32, #tpu.memory_space<hbm>>) dst(%dma_wait3A_92 : memref<128x64xf32, #tpu.memory_space<vmem>>)
      %scan3A_99 = arith.constant 0 : i32
      %scan3A_100 = arith.constant 0 : i32
      %scan3A_101 = arith.constant 128 : i32
      %scan3A_102 = arith.addi %scan3A_100, %scan3A_101 : i32
      %scan3A_103 = arith.constant 1 : i32
      %scan3A_104 = scf.for %scan3A_107 = %scan3A_100 to %scan3A_102 step %scan3A_103 iter_args(%scan3A_108 = %scan3A_99) -> (i32)  : i32 {
        %get3A = arith.constant 0 : i32
        %get3A_109 = arith.index_cast %get3A : i32 to index
        %get3A_110 = arith.index_cast %scan3A_107 : i32 to index
        %get3A_111 = arith.constant 0 : index
        %get3A_112 = tpu.vector_load %arg11[%get3A_109, %get3A_110, %get3A_111] {strides = array<i32>} : memref<3x128x64xf32, #tpu.memory_space<vmem>>, vector<1x1x16xf32>,
        %get3A_113 = vector.shape_cast %get3A_112 : vector<1x1x16xf32> to vector<16xf32>
        %get3A_114 = arith.constant 1 : i32
        %get3A_115 = arith.index_cast %get3A_114 : i32 to index
        %get3A_116 = arith.index_cast %scan3A_107 : i32 to index
        %get3A_117 = arith.constant 0 : index
        %get3A_118 = tpu.vector_load %arg11[%get3A_115, %get3A_116, %get3A_117] {strides = array<i32>} : memref<3x128x64xf32, #tpu.memory_space<vmem>>, vector<1x1x16xf32>,
        %get3A_119 = vector.shape_cast %get3A_118 : vector<1x1x16xf32> to vector<16xf32>
        %max3A = arith.maximumf %get3A_113, %get3A_119 : vector<16xf32>
        %get3A_120 = arith.constant 2 : i32
        %get3A_121 = arith.index_cast %get3A_120 : i32 to index
        %get3A_122 = arith.index_cast %scan3A_107 : i32 to index
        %get3A_123 = arith.constant 0 : index
        %get3A_124 = tpu.vector_load %arg11[%get3A_121, %get3A_122, %get3A_123] {strides = array<i32>} : memref<3x128x64xf32, #tpu.memory_space<vmem>>, vector<1x1x16xf32>,
        %get3A_125 = vector.shape_cast %get3A_124 : vector<1x1x16xf32> to vector<16xf32>
        %max3A_126 = arith.maximumf %max3A, %get3A_125 : vector<16xf32>
        %get3A_127 = arith.index_cast %scan3A_107 : i32 to index
        %get3A_128 = arith.constant 0 : index
        %get3A_129 = tpu.vector_load %arg12[%get3A_127, %get3A_128] {strides = array<i32>} : memref<128x64xf32, #tpu.memory_space<vmem>>, vector<1x16xf32>,
        %get3A_130 = vector.shape_cast %get3A_129 : vector<1x16xf32> to vector<16xf32>
        %add3A_131 = arith.addf %max3A_126, %get3A_130 : vector<16xf32>
        %max3A_132 = arith.constant 0.000000e+00 : f32
        %max3A_133 = vector.broadcast %max3A_132 : f32 to vector<16xf32>
        %max3A_134 = arith.maximumf %add3A_131, %max3A_133 : vector<16xf32>
        %swap3A = arith.index_cast %scan3A_107 : i32 to index
        %swap3A_135 = arith.constant 0 : index
        %swap3A_136 = tpu.vector_load %arg13[%swap3A, %swap3A_135] {strides = array<i32>} : memref<128x64xf32, #tpu.memory_space<vmem>>, vector<1x16xf32>,
        %swap3A_137 = vector.shape_cast %swap3A_136 : vector<1x16xf32> to vector<16xf32>
        %swap3A_138 = vector.shape_cast %max3A_134 : vector<16xf32> to vector<1x16xf32>
        tpu.vector_store %arg13[%swap3A, %swap3A_135], %swap3A_138 {strides = array<i32>} : memref<128x64xf32, #tpu.memory_space<vmem>>, vector<1x16xf32>,
        %get3A_139 = arith.constant 0 : i32
        %get3A_140 = arith.index_cast %get3A_139 : i32 to index
        %get3A_141 = arith.index_cast %scan3A_107 : i32 to index
        %get3A_142 = arith.constant 16 : index
        %get3A_143 = tpu.vector_load %arg11[%get3A_140, %get3A_141, %get3A_142] {strides = array<i32>} : memref<3x128x64xf32, #tpu.memory_space<vmem>>, vector<1x1x16xf32>,
        %get3A_144 = vector.shape_cast %get3A_143 : vector<1x1x16xf32> to vector<16xf32>
        %get3A_145 = arith.constant 1 : i32
        %get3A_146 = arith.index_cast %get3A_145 : i32 to index
        %get3A_147 = arith.index_cast %scan3A_107 : i32 to index
        %get3A_148 = arith.constant 16 : index
        %get3A_149 = tpu.vector_load %arg11[%get3A_146, %get3A_147, %get3A_148] {strides = array<i32>} : memref<3x128x64xf32, #tpu.memory_space<vmem>>, vector<1x1x16xf32>,
        %get3A_150 = vector.shape_cast %get3A_149 : vector<1x1x16xf32> to vector<16xf32>
        %max3A_151 = arith.maximumf %get3A_144, %get3A_150 : vector<16xf32>
        %get3A_152 = arith.constant 2 : i32
        %get3A_153 = arith.index_cast %get3A_152 : i32 to index
        %get3A_154 = arith.index_cast %scan3A_107 : i32 to index
        %get3A_155 = arith.constant 16 : index
        %get3A_156 = tpu.vector_load %arg11[%get3A_153, %get3A_154, %get3A_155] {strides = array<i32>} : memref<3x128x64xf32, #tpu.memory_space<vmem>>, vector<1x1x16xf32>,
        %get3A_157 = vector.shape_cast %get3A_156 : vector<1x1x16xf32> to vector<16xf32>
        %max3A_158 = arith.maximumf %max3A_151, %get3A_157 : vector<16xf32>
        %get3A_159 = arith.index_cast %scan3A_107 : i32 to index
        %get3A_160 = arith.constant 16 : index
        %get3A_161 = tpu.vector_load %arg12[%get3A_159, %get3A_160] {strides = array<i32>} : memref<128x64xf32, #tpu.memory_space<vmem>>, vector<1x16xf32>,
        %get3A_162 = vector.shape_cast %get3A_161 : vector<1x16xf32> to vector<16xf32>
        %add3A_163 = arith.addf %max3A_158, %get3A_162 : vector<16xf32>
        %max3A_164 = arith.constant 0.000000e+00 : f32
        %max3A_165 = vector.broadcast %max3A_164 : f32 to vector<16xf32>
        %max3A_166 = arith.maximumf %add3A_163, %max3A_165 : vector<16xf32>
        %swap3A_167 = arith.index_cast %scan3A_107 : i32 to index
        %swap3A_168 = arith.constant 16 : index
        %swap3A_169 = tpu.vector_load %arg13[%swap3A_167, %swap3A_168] {strides = array<i32>} : memref<128x64xf32, #tpu.memory_space<vmem>>, vector<1x16xf32>,
        %swap3A_170 = vector.shape_cast %swap3A_169 : vector<1x16xf32> to vector<16xf32>
        %swap3A_171 = vector.shape_cast %max3A_166 : vector<16xf32> to vector<1x16xf32>
        tpu.vector_store %arg13[%swap3A_167, %swap3A_168], %swap3A_171 {strides = array<i32>} : memref<128x64xf32, #tpu.memory_space<vmem>>, vector<1x16xf32>,
        %get3A_172 = arith.constant 0 : i32
        %get3A_173 = arith.index_cast %get3A_172 : i32 to index
        %get3A_174 = arith.index_cast %scan3A_107 : i32 to index
        %get3A_175 = arith.constant 32 : index
        %get3A_176 = tpu.vector_load %arg11[%get3A_173, %get3A_174, %get3A_175] {strides = array<i32>} : memref<3x128x64xf32, #tpu.memory_space<vmem>>, vector<1x1x16xf32>,
        %get3A_177 = vector.shape_cast %get3A_176 : vector<1x1x16xf32> to vector<16xf32>
        %get3A_178 = arith.constant 1 : i32
        %get3A_179 = arith.index_cast %get3A_178 : i32 to index
        %get3A_180 = arith.index_cast %scan3A_107 : i32 to index
        %get3A_181 = arith.constant 32 : index
        %get3A_182 = tpu.vector_load %arg11[%get3A_179, %get3A_180, %get3A_181] {strides = array<i32>} : memref<3x128x64xf32, #tpu.memory_space<vmem>>, vector<1x1x16xf32>,
        %get3A_183 = vector.shape_cast %get3A_182 : vector<1x1x16xf32> to vector<16xf32>
        %max3A_184 = arith.maximumf %get3A_177, %get3A_183 : vector<16xf32>
        %get3A_185 = arith.constant 2 : i32
        %get3A_186 = arith.index_cast %get3A_185 : i32 to index
        %get3A_187 = arith.index_cast %scan3A_107 : i32 to index
        %get3A_188 = arith.constant 32 : index
        %get3A_189 = tpu.vector_load %arg11[%get3A_186, %get3A_187, %get3A_188] {strides = array<i32>} : memref<3x128x64xf32, #tpu.memory_space<vmem>>, vector<1x1x16xf32>,
        %get3A_190 = vector.shape_cast %get3A_189 : vector<1x1x16xf32> to vector<16xf32>
        %max3A_191 = arith.maximumf %max3A_184, %get3A_190 : vector<16xf32>
        %get3A_192 = arith.index_cast %scan3A_107 : i32 to index
        %get3A_193 = arith.constant 32 : index
        %get3A_194 = tpu.vector_load %arg12[%get3A_192, %get3A_193] {strides = array<i32>} : memref<128x64xf32, #tpu.memory_space<vmem>>, vector<1x16xf32>,
        %get3A_195 = vector.shape_cast %get3A_194 : vector<1x16xf32> to vector<16xf32>
        %add3A_196 = arith.addf %max3A_191, %get3A_195 : vector<16xf32>
        %max3A_197 = arith.constant 0.000000e+00 : f32
        %max3A_198 = vector.broadcast %max3A_197 : f32 to vector<16xf32>
        %max3A_199 = arith.maximumf %add3A_196, %max3A_198 : vector<16xf32>
        %swap3A_200 = arith.index_cast %scan3A_107 : i32 to index
        %swap3A_201 = arith.constant 32 : index
        %swap3A_202 = tpu.vector_load %arg13[%swap3A_200, %swap3A_201] {strides = array<i32>} : memref<128x64xf32, #tpu.memory_space<vmem>>, vector<1x16xf32>,
        %swap3A_203 = vector.shape_cast %swap3A_202 : vector<1x16xf32> to vector<16xf32>
        %swap3A_204 = vector.shape_cast %max3A_199 : vector<16xf32> to vector<1x16xf32>
        tpu.vector_store %arg13[%swap3A_200, %swap3A_201], %swap3A_204 {strides = array<i32>} : memref<128x64xf32, #tpu.memory_space<vmem>>, vector<1x16xf32>,
        %get3A_205 = arith.constant 0 : i32
        %get3A_206 = arith.index_cast %get3A_205 : i32 to index
        %get3A_207 = arith.index_cast %scan3A_107 : i32 to index
        %get3A_208 = arith.constant 48 : index
        %get3A_209 = tpu.vector_load %arg11[%get3A_206, %get3A_207, %get3A_208] {strides = array<i32>} : memref<3x128x64xf32, #tpu.memory_space<vmem>>, vector<1x1x16xf32>,
        %get3A_210 = vector.shape_cast %get3A_209 : vector<1x1x16xf32> to vector<16xf32>
        %get3A_211 = arith.constant 1 : i32
        %get3A_212 = arith.index_cast %get3A_211 : i32 to index
        %get3A_213 = arith.index_cast %scan3A_107 : i32 to index
        %get3A_214 = arith.constant 48 : index
        %get3A_215 = tpu.vector_load %arg11[%get3A_212, %get3A_213, %get3A_214] {strides = array<i32>} : memref<3x128x64xf32, #tpu.memory_space<vmem>>, vector<1x1x16xf32>,
        %get3A_216 = vector.shape_cast %get3A_215 : vector<1x1x16xf32> to vector<16xf32>
        %max3A_217 = arith.maximumf %get3A_210, %get3A_216 : vector<16xf32>
        %get3A_218 = arith.constant 2 : i32
        %get3A_219 = arith.index_cast %get3A_218 : i32 to index
        %get3A_220 = arith.index_cast %scan3A_107 : i32 to index
        %get3A_221 = arith.constant 48 : index
        %get3A_222 = tpu.vector_load %arg11[%get3A_219, %get3A_220, %get3A_221] {strides = array<i32>} : memref<3x128x64xf32, #tpu.memory_space<vmem>>, vector<1x1x16xf32>,
        %get3A_223 = vector.shape_cast %get3A_222 : vector<1x1x16xf32> to vector<16xf32>
        %max3A_224 = arith.maximumf %max3A_217, %get3A_223 : vector<16xf32>
        %get3A_225 = arith.index_cast %scan3A_107 : i32 to index
        %get3A_226 = arith.constant 48 : index
        %get3A_227 = tpu.vector_load %arg12[%get3A_225, %get3A_226] {strides = array<i32>} : memref<128x64xf32, #tpu.memory_space<vmem>>, vector<1x16xf32>,
        %get3A_228 = vector.shape_cast %get3A_227 : vector<1x16xf32> to vector<16xf32>
        %add3A_229 = arith.addf %max3A_224, %get3A_228 : vector<16xf32>
        %max3A_230 = arith.constant 0.000000e+00 : f32
        %max3A_231 = vector.broadcast %max3A_230 : f32 to vector<16xf32>
        %max3A_232 = arith.maximumf %add3A_229, %max3A_231 : vector<16xf32>
        %swap3A_233 = arith.index_cast %scan3A_107 : i32 to index
        %swap3A_234 = arith.constant 48 : index
        %swap3A_235 = tpu.vector_load %arg13[%swap3A_233, %swap3A_234] {strides = array<i32>} : memref<128x64xf32, #tpu.memory_space<vmem>>, vector<1x16xf32>,
        %swap3A_236 = vector.shape_cast %swap3A_235 : vector<1x16xf32> to vector<16xf32>
        %swap3A_237 = vector.shape_cast %max3A_232 : vector<16xf32> to vector<1x16xf32>
        tpu.vector_store %arg13[%swap3A_233, %swap3A_234], %swap3A_237 {strides = array<i32>} : memref<128x64xf32, #tpu.memory_space<vmem>>, vector<1x16xf32>,
        %scan3A_238 = arith.constant 0 : i32
        scf.yield %scan3A_238 : i32
      }
      %scan3A_105 = arith.constant 128 : i32
      "tpu.region"() ({
        %run_scoped3A_107 = tpu.sem_alloc : memref<!tpu.dma_semaphore, #tpu.memory_space<semaphore_mem>>
        %dma_start3A_108 = arith.constant 0 : i32
        %dma_start3A_109 = tpu.memref_slice %arg9[%add3A_20, %dma_start3A_108] : memref<200704x64xf32, #tpu.memory_space<hbm>> -> memref<128x64xf32, #tpu.memory_space<hbm>>
        %dma_start3A_110 = arith.constant 0 : i32
        %dma_start3A_111 = tpu.memref_slice %arg9[%add3A_20, %dma_start3A_110] : memref<200704x64xf32, #tpu.memory_space<hbm>> -> memref<128x64xf32, #tpu.memory_space<hbm>>
        tpu.enqueue_dma source(%arg13 : memref<128x64xf32, #tpu.memory_space<vmem>>) target(%dma_start3A_111 : memref<128x64xf32, #tpu.memory_space<hbm>>) target_semaphore(%run_scoped3A_107 : memref<!tpu.dma_semaphore, #tpu.memory_space<semaphore_mem>>)
        %dma_wait3A_112 = arith.constant 0 : i32
        %dma_wait3A_113 = tpu.memref_slice %arg9[%add3A_20, %dma_wait3A_112] : memref<200704x64xf32, #tpu.memory_space<hbm>> -> memref<128x64xf32, #tpu.memory_space<hbm>>
        %dma_wait3A_114 = arith.constant 0 : i32
        %dma_wait3A_115 = tpu.memref_slice %arg9[%add3A_20, %dma_wait3A_114] : memref<200704x64xf32, #tpu.memory_space<hbm>> -> memref<128x64xf32, #tpu.memory_space<hbm>>
        tpu.wait_dma2 semaphore(%run_scoped3A_107 : memref<!tpu.dma_semaphore, #tpu.memory_space<semaphore_mem>>) src(%arg13 : memref<128x64xf32, #tpu.memory_space<vmem>>) dst(%dma_wait3A_115 : memref<128x64xf32, #tpu.memory_space<hbm>>)
        tpu.yield
      }) : () -> ()
      %scan3A_106 = arith.constant 0 : i32
      scf.yield %scan3A_106 : i32
    }
    %scan3A_15 = arith.constant 49 : i32
    return
  }
}

</mosaic_0001>

<sc_bundles>
// kernel: _sc_gather_max.3.cloned.1.call-start
scs
__scs_entry_jumppad:
0x0: {  	(pc) =	sbr.rel $0x88, $3  }
0x1: {  	(tag) =	ssettag $0x0;
	lr =	simm.s32 $0x1  }
0x2: {  	[smem:$0x3F9B] =	sst lr;
	_ =	strace $0xD0000000  }
0x3: {  	_ = 	snop  }
0x4: {  	_ = 	snop  }
0x5: {  	_ = 	snop  }
0x6: {  	_ = 	snop  }
0x7: {  	_ = 	snop  }
__scs_overlays_trampoline_lowered:
0x8: {  	[smem:$0x3FAA] =	sst s0  }
0x9: {  	[smem:$0x3FAB] =	sst s1  }
0xa: {  	[smem:$0x3FAC] =	sst s2  }
0xb: {  	[smem:$0x3FAD] =	sst s3  }
0xc: {  	[smem:$0x3FAE] =	sst s4  }
0xd: {  	[smem:$0x3FAF] =	sst s5  }
0xe: {  	[smem:$0x3FB0] =	sst s6  }
0xf: {  	[smem:$0x3FB1] =	sst s7  }
0x10: {  	[smem:$0x3FB2] =	sst s8  }
0x11: {  	[smem:$0x3FB3] =	sst s9;
	s0 =	simm.s32 @!p0 $0x0  }
0x12: {  	s1 =	sld [smem:$0x3F99];
	s0 =	simm.s32 @p0 $0x1  }
0x13: {  	[smem:$0x3FB4] =	sst s0;
	s0 =	simm.s32 @!p1 $0x0  }
0x14: {  	s2 =	sld [smem:$0x3F98];
	s0 =	simm.s32 @p1 $0x1  }
0x15: {  	[smem:$0x3FB5] =	sst s0;
	s0 =	simm.s32 @!p2 $0x0  }
0x16: {  	s3 =	sld [smem:$0x3FDB];
	s0 =	simm.s32 @p2 $0x1  }
0x17: {  	s4 =	simm.s32 $0x1BF5;
	[smem:$0x3FB7] =	sst s0  }
0x18: {  	s0 =	sld [smem:$0x3F9A];
	_ =	swait.ge [sflag:s4], $0x0  }
0x19: {  	s7 =	sld [smem:$0x3F9B]  }
0x1a: {  	s8 =	sadd.s32 $0xFFFFE003, lr  }
0x1b: {  	s9 =	sadd.s32 $0xFFFFFEF7, lr;
	s5 =	simm.s32 $0xFFFFFFFF;
	p2 =	slt.u32 s8, $0xFFFFF086  }
0x1c: {  	p1 =	slt.u32 s9, $0xF7A;
	s5 =	simm.s32 @!p2 $0x0  }
0x1d: {  	s5 =	simm.s32 @p1 $0x1;
	p0 =	seq.s32 s7, s2  }
0x1e: {  	s7 =	smul.u32 @!p0 $0xF7A, s2;
	p2 =	seq.s32 @!p0 s5, $0x0  }
0x1f: {  	s9 =	smul.u32 $0xF7A, s1;
	s8 =	simm.s32 @!p0 $0x1BF5;
	p2 =	por !p2, p0  }
0x20: {  	[sflag:s8] =	ssyncset.s32 @!p0 $0xFFFFF086;
	s6 =	sadd.s32 @!p0 s3, s7;
	s7 =	simm.s32 @!p0 $0x108  }
0x21: {  	s3 =	sadd.s32 s3, s9;
	s6 =	sadd.s32 @!p0 $0x88, s6;
	s7 =	simm.s32 @p2 $0x1082  }
0x22: {  	[simem:s7], [sflag:s8] =	dma.local @!p0 [hbm:s6], $0xF7A  }
0x23: {  	s9 =	sor.u32 $0xD0000000, s2;
	s6 =	simm.s32 $0x108;
	_ =	swait.ge @!p0 [sflag:s8], $0x0  }
0x24: {  	s3 =	sadd.s32 $0x88, s3;
	s6 =	simm.s32 @!p1 $0x1082;
	[sflag:s4] =	ssyncset.s32 $0xFFFFF086  }
0x25: {  	[simem:s6], [sflag:s4] =	dma.local [hbm:s3], $0xF7A  }
0x26: {  	[smem:$0x3F9B] =	sst s1;
	(tag) =	ssettag s2;
	_ =	strace s9  }
0x27: {  	s1 =	sld [smem:$0x3FAB]  }
0x28: {  	s2 =	sld [smem:$0x3FAC]  }
0x29: {  	s4 =	sld [smem:$0x3FAE]  }
0x2a: {  	p0 =	seq.s32 s5, $0x0;
	s5 =	sld [smem:$0x3FAF]  }
0x2b: {  	s6 =	sld [smem:$0x3FB0]  }
0x2c: {  	s7 =	sld [smem:$0x3FB1]  }
0x2d: {  	s3 =	simm.s32 $0x108;
	s8 =	sld [smem:$0x3FB2]  }
0x2e: {  	s3 =	simm.s32 @!p0 $0x1082;
	s9 =	sld [smem:$0x3FB3]  }
0x2f: {  	lr =	sadd.s32 s0, s3;
	s0 =	sld [smem:$0x3FAA]  }
0x30: {  	s3 =	sld [smem:$0x3FAD]  }
0x31: {  	[smem:$0x3FB6] =	sst s10  }
0x32: {  	s10 =	sld [smem:$0x3FB4];
	_ =	sdelay $0x3  }
0x33: {  	p0 =	seq.s32 s10, $0x1;
	s10 =	sld [smem:$0x3FB6];
	_ =	sdelay $0x3  }
0x34: {  	[smem:$0x3FB6] =	sst s10  }
0x35: {  	s10 =	sld [smem:$0x3FB5];
	_ =	sdelay $0x3  }
0x36: {  	p1 =	seq.s32 s10, $0x1;
	s10 =	sld [smem:$0x3FB6];
	_ =	sdelay $0x3  }
0x37: {  	[smem:$0x3FB6] =	sst s10  }
0x38: {  	s10 =	sld [smem:$0x3FB7]  }
0x39: {  	_ = 	snop;
	(pc) =	sbr.ind lr, $3  }
0x3a: {  	_ = 	snop  }
0x3b: {  	_ = 	snop  }
0x3c: {  	p2 =	seq.s32 s10, $0x1;
	s10 =	sld [smem:$0x3FB6]  }
0x3d: {  	_ =	shalt  }
0x3e: {  	_ =	shalt  }
0x3f: {  	_ =	shalt  }
0x40: {  	_ =	shalt  }
0x41: {  	_ =	shalt  }
0x42: {  	_ =	shalt  }
0x43: {  	_ =	shalt  }
0x44: {  	_ =	shalt  }
0x45: {  	_ =	shalt  }
0x46: {  	_ =	shalt  }
0x47: {  	_ =	shalt  }
0x48: {  	_ =	shalt  }
0x49: {  	_ =	shalt  }
0x4a: {  	_ =	shalt  }
0x4b: {  	_ =	shalt  }
0x4c: {  	_ =	shalt  }
0x4d: {  	_ =	shalt  }
0x4e: {  	_ =	shalt  }
0x4f: {  	_ =	shalt  }
0x50: {  	_ =	shalt  }
0x51: {  	_ =	shalt  }
0x52: {  	_ =	shalt  }
0x53: {  	_ =	shalt  }
0x54: {  	_ =	shalt  }
0x55: {  	_ =	shalt  }
0x56: {  	_ =	shalt  }
0x57: {  	_ =	shalt  }
0x58: {  	_ =	shalt  }
0x59: {  	_ =	shalt  }
0x5a: {  	_ =	shalt  }
0x5b: {  	_ =	shalt  }
0x5c: {  	_ =	shalt  }
0x5d: {  	_ =	shalt  }
0x5e: {  	_ =	shalt  }
0x5f: {  	_ =	shalt  }
0x60: {  	_ =	shalt  }
0x61: {  	_ =	shalt  }
0x62: {  	_ =	shalt  }
0x63: {  	_ =	shalt  }
0x64: {  	_ =	shalt  }
0x65: {  	_ =	shalt  }
0x66: {  	_ =	shalt  }
0x67: {  	_ =	shalt  }
0x68: {  	_ =	shalt  }
0x69: {  	_ =	shalt  }
0x6a: {  	_ =	shalt  }
0x6b: {  	_ =	shalt  }
0x6c: {  	_ =	shalt  }
0x6d: {  	_ =	shalt  }
0x6e: {  	_ =	shalt  }
0x6f: {  	_ =	shalt  }
0x70: {  	_ =	shalt  }
0x71: {  	_ =	shalt  }
0x72: {  	_ =	shalt  }
0x73: {  	_ =	shalt  }
0x74: {  	_ =	shalt  }
0x75: {  	_ =	shalt  }
0x76: {  	_ =	shalt  }
0x77: {  	_ =	shalt  }
0x78: {  	_ =	shalt  }
0x79: {  	_ =	shalt  }
0x7a: {  	_ =	shalt  }
0x7b: {  	_ =	shalt  }
0x7c: {  	_ =	shalt  }
0x7d: {  	_ =	shalt  }
0x7e: {  	_ =	shalt  }
0x7f: {  	_ =	shalt  }
0x80: {  	_ =	shalt  }
0x81: {  	_ =	shalt  }
0x82: {  	_ =	shalt  }
0x83: {  	_ =	shalt  }
0x84: {  	_ =	shalt  }
0x85: {  	_ =	shalt  }
0x86: {  	_ =	shalt  }
0x87: {  	_ =	shalt  }
.Lfunc_end0:
.L_simem_size_0:
called_computation.2_lowered:
.L_overlay_start_0:
0x88: {  	s2 =	sld [smem:$0x3FD9]  }
0x89: {  	s3 =	sld [smem:$0x3FFE];
	_ =	sdelay $0x1  }
0x8a: {  	s1 =	srdreg.scid  }
0x8b: {  	s0 =	sand.u32 $0x1, s1  }
0x8c: {  	s14 =	sshll.u32 s0, $0xA;
	s2 =	sadd.s32 s3, s2  }
0x8d: {  	s2 =	sadd.s32 s2, s14  }
0x8e: {  	[smem:$0x3FC2] =	sst s2  }
0x8f: {  	_ = 	snop  }
0x90: {  	s2 =	sld [smem:$0x3FD0];
	_ =	sdelay $0x1  }
0x91: {  	s15 =	sld [smem:$0x3FC5]  }
0x92: {  	s5 =	simm.s32 $0xB;
	s6 =	simm.s32 $0x10;
	s4 =	sld [smem:$0x3FC4]  }
0x93: {  	[smem:s6], [sflag:s5] =	dma.local [hbm:s2], $0x1  }
0x94: {  	_ =	swait.eq [sflag:s5], $0x1  }
0x95: {  	[sflag:s5] =	ssyncset.done $0x0  }
0x96: {  	s16 =	sld [smem:$0x10];
	[sflag:s5] =	ssyncadd.s32 $0xFFFFFFFF  }
0x97: {  	s17 =	sld [smem:$0x11];
	(tm) =	ssettm $0x1  }
0x98: {  	s18 =	sld [smem:$0x3FFB];
	_ =	sdelay $0x3  }
0x99: {  	_ =	strace s18  }
0x9a: {  	s6 =	sld [smem:$0x3FFC];
	_ =	sdelay $0x3  }
0x9b: {  	_ =	strace s6  }
0x9c: {  	s6 =	sld [smem:$0x3FFD];
	_ =	sdelay $0x3  }
0x9d: {  	_ =	strace s6  }
0x9e: {  	_ =	strace $0x8FFFFFFF  }
0x9f: {  	s19 =	sld [smem:$0x3FDB];
	_ =	sdelay $0x1  }
0xa0: {  	s7 =	simm.s32 $_scs_section_size  }
0xa1: {  	s8 =	simm.s32 $_size__tile_overlayer_lowered;
	s9 =	simm.s32 $_tile_overlayer_lowered  }
0xa2: {  	s22 =	simm.s32 $0x1BFF;
	s21 =	sshll.u32 s9, $0x1;
	s6 =	sadd.s32 s7, s19  }
0xa3: {  	s10 =	simm.s32 $0x0;
	s20 =	sshll.u32 s8, $0x1;
	s8 =	sadd.s32 s21, s6  }
0xa4: {  	[timem:s10], [sflag:s22] =	dma.local [hbm:s8], s20  }
0xa5: {  	_ =	swait.ge [sflag:s22], s20  }
0xa6: {  	s7 =	ssub.s32 $0x0, s20;
	[sflag:s22] =	ssyncset.done $0x0  }
0xa7: {  	[sflag:s22] =	ssyncadd.s32 s7;
	_ =	sdelay $0x1  }
0xa8: {  	s23 =	simm.s32 $0x1B8B  }
0xa9: {  	_ =	swait.ge [sflag:s23], $0x1  }
0xaa: {  	[sflag:s23] =	ssyncset.done $0x0  }
0xab: {  	s25 =	simm.s32 $0x1B8E;
	s24 =	sld [smem:$0x3FFE];
	[sflag:s23] =	ssyncadd.s32 $0xFFFFFFFF  }
0xac: {  	s26 =	simm.s32 $execute0_lowered;
	[smem:$0x3FD2] =	sst s25  }
0xad: {  	s8 =	sshll.u32 s26, $0x1;
	_ =	strace $0x80000046;
	[dreg:$0x1] =	wrdreg $0xFFFFFFFF  }
0xae: {  	s28 =	simm.s32 $_size_execute0_lowered;
	s6 =	sadd.s32 s6, s8;
	[dreg:$0x0] =	wrdreg $0x0  }
0xaf: {  	s8 =	sshll.u32 s28, $0x1;
	[dreg:$0x2] =	wrdreg s6  }
0xb0: {  	[dreg:$0x3] =	wrdreg s8  }
0xb1: {  	[dreg:$0x4] =	wrdreg $0xC0  }
0xb2: {  	_ =	task [dreg:s10], $0x5FFFF  }
0xb3: {  	[dreg:$0x1] =	wrdreg $0xFFFFFFFF  }
0xb4: {  	[dreg:$0x0] =	wrdreg $0x60  }
0xb5: {  	[dreg:$0x2] =	wrdreg s24  }
0xb6: {  	[dreg:$0x3] =	wrdreg s16  }
0xb7: {  	[dreg:$0x4] =	wrdreg s17  }
0xb8: {  	[dreg:$0x5] =	wrdreg s15  }
0xb9: {  	[dreg:$0x6] =	wrdreg s4  }
0xba: {  	[dreg:$0x7] =	wrdreg $0x9  }
0xbb: {  	_ =	task.clear_ibuf [dreg:s10], $0x8FFFF;
	_ =	strace $0x90000046  }
0xbc: {  	s29 =	simm.s32 $0x9;
	_ =	strace $0x80000048  }
0xbd: {  	_ =	swait.ge [sflag:s29], $0x1  }
0xbe: {  	[sflag:s29] =	ssyncadd.s32 $0xFFFFFFFF  }
0xbf: {  	_ =	strace $0x90000048  }
0xc0: {  	_ =	sfence  }
0xc1: {  	s30 =	sld [smem:$0x0];
	_ =	sdelay $0x2  }
0xc2: {  	s31 =	sshll.u32 s1, $0xD;
	s1 =	sshrl.u32 s1, $0x2  }
0xc3: {  	s3 =	sand.u32 $0x4000, s31;
	s1 =	sadd.s32 s1, s30  }
0xc4: {  	s0 =	sor.u32 s3, s0;
	s1 =	sshll.u32 s1, $0x11  }
0xc5: {  	s0 =	sor.u32 s1, s0  }
0xc6: {  	s0 =	sadd.s32 $0x8F2B, s0  }
0xc7: {  	[sflag:s0] =	ssyncadd.remote.s32 $0x1  }
0xc8: {  	_ =	sfence.sel $0xFFFF  }
0xc9: {  	[dreg:$0x0] =	wrdreg $0xFFFFFFFF;
	(pc) =	sbr.abs _section_cstart, $3  }
0xca: {  	[dreg:$0x1] =	wrdreg $0xFFFFFFFF  }
0xcb: {  	_ =	task.clear_ibuf [dreg:s10], $0x2FFFF;
	_ =	strace $0x9FFFFFFF  }
0xcc: {  	(tm) =	ssettm $0x7FFFFFFF  }
0xcd: {  	_ =	shalt  }
tec
execute0_lowered:
.L_overlay_start_1:
0x0: {  	(tag) =	ssettag $0x1  }
0x1: {  	s10 =	rddreg [dreg:$0x0]  }
0x2: {  	s1 =	rddreg [dreg:$0x1]  }
0x3: {  	s2 =	rddreg [dreg:$0x2]  }
0x4: {  	s3 =	rddreg [dreg:$0x3]  }
0x5: {  	s4 =	rddreg [dreg:$0x4]  }
0x6: {  	s0 =	rddreg [dreg:$0x5]  }
0x7: {  	s5 =	simm.s32 $0x0;
	s6 =	srdreg.scid;
	s15 =	simm.s32 $0x180  }
0x8: {  	s16 =	simm.s32 $0x2180;
	s17 =	simm.s32 $0x6180;
	s18 =	simm.s32 $0x1  }
0x9: {  	s19 =	simm.s32 $0x8180;
	s20 =	simm.s32 $0x100;
	s21 =	simm.s32 $0x4180  }
0xa: {  	s22 =	simm.s32 $0x0;
	[smem:$0x7FF] =	sst s5;
	s7 =	sadd.s32 $0x63000, s10  }
0xb: {  	s11 =	sand.u32 $0x1, s6;
	s8 =	sadd.s32 $0x1000, s10;
	s6 =	stileid.u32  }
0xc: {  	s9 =	sadd.s32 $0xC5000, s10;
	s10 =	sadd.s32 $0x24D000, s10;
	s12 =	ssub.s32 $0x2, s11  }
0xd: {  	_ =	strace $0x80000047;
	s14 =	sshll.u32 s6, $0x1;
	s13 =	sshrl.u32 s12, $0x1  }
0xe: {  	s11 =	sor.u32 s11, s14;
	s14 =	simm.s32 $0x80;
	s12 =	ssub.s32 s12, s13  }
0xf: {  	s11 =	smul.u32 $0x1880, s11;
	s13 =	simm.s32 $0x2;
	s12 =	smax.u32 s12, $0x1  }
.LBB2_1:
0x10: {  	s24 =	simm.s32 $0x0  }
.LBB2_2:
0x11: {  	s23 =	sshll.u32 s24, $0x7  }
0x12: {  	s23 =	sadd.s32 s11, s23  }
0x13: {  	s25 =	sshrl.u32 s23, $0x3  }
0x14: {  	s26 =	simm.s32 $0x0;
	s25 =	sadd.s32 s3, s25  }
0x15: {  	[tilespmem:s26], [sflag:$0x2] =	stream.linear.gather [hbm4b:s25+s26], $0x80, $0x38;
	[tilespmem:$0xA180] =	vst v63  }
0x16: {  	_ =	swait.ge [sflag:s13], $0x80  }
0x17: {  	[sflag:s13] =	ssyncset.done $0x0  }
0x18: {  	s25 =	sadd.s32 $0x6200, s25;
	[sflag:s13] =	ssyncadd.s32 $0xFFFFFF80  }
0x19: {  	[tilespmem:s14], [sflag:$0x2] =	stream.linear.gather [hbm4b:s25+s26], $0x80, $0x38;
	[tilespmem:$0xA180] =	vst v63  }
0x1a: {  	_ =	swait.ge [sflag:s13], $0x80  }
0x1b: {  	[sflag:s13] =	ssyncset.done $0x0  }
0x1c: {  	[sflag:s13] =	ssyncadd.s32 $0xFFFFFF80  }
0x1d: {  	[tilespmem:s15], [sflag:$0x1] =	stream.indirect.gather [hbm4b:s7+s14], $0x40, s26, s14, $0xb8;
	[tilespmem:$0xA180] =	vst v63  }
0x1e: {  	s23 =	sshll.u32 s23, $0x3  }
0x1f: {  	[tilespmem:s16], [sflag:$0x1] =	stream.indirect.gather [hbm4b:s7+s14], $0x40, s14, s14, $0xb8;
	[tilespmem:$0xA180] =	vst v63  }
0x20: {  	s31 =	sadd.s32 s1, s23  }
0x21: {  	[tilespmem:s17], [sflag:$0x2] =	stream.linear.gather [hbm4b:s31+s26], $0x2000, $0x38;
	[tilespmem:$0xA180] =	vst v63  }
0x22: {  	_ =	swait.ge [sflag:s13], $0x2000  }
0x23: {  	[sflag:s13] =	ssyncset.done $0x0  }
0x24: {  	[sflag:s13] =	ssyncadd.s32 $0xFFFFE000  }
0x25: {  	_ =	swait.ge [sflag:s18], $0x2000  }
0x26: {  	[sflag:s18] =	ssyncset.done $0x0  }
0x27: {  	[sflag:s18] =	ssyncadd.s32 $0xFFFFE000  }
0x28: {  	_ =	swait.ge [sflag:s18], $0x2000  }
0x29: {  	[sflag:s18] =	ssyncset.done $0x0  }
0x2a: {  	s25 =	simm.s32 $0x0;
	[sflag:s18] =	ssyncadd.s32 $0xFFFFE000  }
0x2b: {  	v0 =	vld [tilespmem:s25+$0x1B0]  }
0x2c: {  	v1 =	vld [tilespmem:s25+$0x21B0]  }
0x2d: {  	v2 =	vld [tilespmem:s25+$0x61B0]  }
0x2e: {  	v6 =	vld [tilespmem:s25+$0x180]  }
0x2f: {  	v7 =	vld [tilespmem:s25+$0x2180]  }
0x30: {  	v8 =	vld [tilespmem:s25+$0x190]  }
0x31: {  	v9 =	vld [tilespmem:s25+$0x2190]  }
0x32: {  	v1 =	vmax.f32 v0, v1;
	v0 =	vld [tilespmem:s25+$0x1A0]  }
0x33: {  	v1 =	vadd.f32 v2, v1;
	v2 =	vld [tilespmem:s25+$0x21A0]  }
0x34: {  	v5 =	vld [tilespmem:s25+$0x6180]  }
0x35: {  	v4 =	vld [tilespmem:s25+$0x6190];
	v1 =	vmax.f32 v1, $0.0e+00  }
0x36: {  	s26 =	simm.s32 $0x40;
	v3 =	vld [tilespmem:s25+$0x61A0];
	[tilespmem:s25+$0x81B0] =	vst v1  }
0x37: {  	s28 =	simm.s32 $0x200;
	v6 =	vmax.f32 v6, v7;
	v7 =	vmax.f32 v8, v9;
	v1 =	vld [tilespmem:s26+$0x1B0]  }
.LBB2_3:
0x38: {  	p0 =	sne.s32 s28, $0x7F00;
	v8 =	vld [tilespmem:s26+$0x21B0];
	v0 =	vmax.f32 v0, v2  }
0x39: {  	v2 =	vld [tilespmem:s26+$0x61B0];
	v5 =	vadd.f32 v5, v6  }
0x3a: {  	v6 =	vld [tilespmem:s26+$0x180];
	v4 =	vadd.f32 v4, v7  }
0x3b: {  	v7 =	vld [tilespmem:s26+$0x2180];
	v5 =	vmax.f32 v5, $0.0e+00;
	v0 =	vadd.f32 v3, v0  }
0x3c: {  	v3 =	vld [tilespmem:s26+$0x190];
	[tilespmem:s25+$0x8180] =	vst v5;
	v4 =	vmax.f32 v4, $0.0e+00  }
0x3d: {  	v9 =	vld [tilespmem:s26+$0x2190];
	v1 =	vmax.f32 v1, v8;
	[tilespmem:s25+$0x8190] =	vst v4;
	v4 =	vmax.f32 v0, $0.0e+00  }
0x3e: {  	v0 =	vld [tilespmem:s26+$0x1A0];
	v1 =	vadd.f32 v2, v1;
	[tilespmem:s25+$0x81A0] =	vst v4;
	s25 =	smov.u32 s26  }
.Ltmp0:
0x3f: {  	v2 =	vld [tilespmem:s25+$0x21A0];
	(pc) =	sbr.rel @p0 .LBB2_3-.Ltmp0, $4  }
0x40: {  	v6 =	vmax.f32 v6, v7;
	v5 =	vld [tilespmem:s25+$0x6180];
	v1 =	vmax.f32 v1, $0.0e+00  }
0x41: {  	v4 =	vld [tilespmem:s25+$0x6190];
	[tilespmem:s25+$0x81B0] =	vst v1  }
0x42: {  	s26 =	sshra.s32 s28, $0x2;
	v7 =	vmax.f32 v3, v9;
	v3 =	vld [tilespmem:s25+$0x61A0]  }
0x43: {  	s28 =	sadd.s32 $0x100, s28;
	v1 =	vld [tilespmem:s26+$0x1B0]  }
0x44: {  	v8 =	vld [tilespmem:s26+$0x21B0]  }
0x45: {  	v9 =	vld [tilespmem:s26+$0x61B0];
	v5 =	vadd.f32 v5, v6  }
0x46: {  	v53 =	vld [tilespmem:s26+$0x180];
	v0 =	vmax.f32 v0, v2;
	v4 =	vadd.f32 v4, v7  }
0x47: {  	v10 =	vld [tilespmem:s26+$0x2180];
	v5 =	vmax.f32 v5, $0.0e+00;
	v0 =	vadd.f32 v3, v0  }
0x48: {  	v54 =	vld [tilespmem:s26+$0x190];
	[tilespmem:s25+$0x8180] =	vst v5;
	v55 =	vmax.f32 v4, $0.0e+00  }
0x49: {  	v56 =	vld [tilespmem:s26+$0x2190];
	[tilespmem:s25+$0x8190] =	vst v55;
	v0 =	vmax.f32 v0, $0.0e+00  }
0x4a: {  	v2 =	vld [tilespmem:s26+$0x1A0];
	[tilespmem:s25+$0x81A0] =	vst v0  }
0x4b: {  	v58 =	vld [tilespmem:s26+$0x21A0]  }
0x4c: {  	v59 =	vld [tilespmem:s26+$0x6180]  }
0x4d: {  	v5 =	vld [tilespmem:s26+$0x6190]  }
0x4e: {  	v60 =	vld [tilespmem:s26+$0x61A0]  }
0x4f: {  	v1 =	vmax.f32 v1, v8  }
0x50: {  	v6 =	vmax.f32 v53, v10;
	v57 =	vadd.f32 v9, v1  }
0x51: {  	v3 =	vmax.f32 v54, v56;
	v4 =	vadd.f32 v59, v6  }
0x52: {  	v0 =	vmax.f32 v57, $0.0e+00;
	v1 =	vmax.f32 v2, v58;
	v61 =	vadd.f32 v5, v3  }
0x53: {  	[tilespmem:s26+$0x81B0] =	vst v0;
	v0 =	vadd.f32 v60, v1;
	v62 =	vmax.f32 v4, $0.0e+00  }
0x54: {  	s24 =	sadd.s32 $0x1, s24;
	v63 =	vmax.f32 v61, $0.0e+00;
	[tilespmem:s26+$0x8180] =	vst v62  }
0x55: {  	p0 =	sne.s32 s24, $0x31;
	[tilespmem:s26+$0x8190] =	vst v63;
	v0 =	vmax.f32 v0, $0.0e+00  }
.Ltmp1:
0x56: {  	s31 =	sadd.s32 s9, s23;
	s23 =	simm.s32 $0x0;
	[tilespmem:s26+$0x81A0] =	vst v0;
	(pc) =	sbr.rel @p0 .LBB2_2-.Ltmp1, $4  }
0x57: {  	[hbm4b:s31+s23] =	stream.linear.scatter [tilespmem:s19], [sflag:$0x2], $0x2000, $0x38;
	[tilespmem:$0xA180] =	vst v63  }
0x58: {  	_ =	swait.ge [sflag:s13], $0x2000  }
0x59: {  	[sflag:s13] =	ssyncset.done $0x0  }
0x5a: {  	[sflag:s13] =	ssyncadd.s32 $0xFFFFE000  }
0x5b: {  	s24 =	simm.s32 $0x0  }
.LBB2_6:
0x5c: {  	s25 =	sshll.u32 s24, $0x7  }
0x5d: {  	s25 =	sadd.s32 s11, s25  }
0x5e: {  	s26 =	sshrl.u32 s25, $0x3  }
0x5f: {  	s26 =	sadd.s32 s4, s26  }
0x60: {  	[tilespmem:s23], [sflag:$0x2] =	stream.linear.gather [hbm4b:s26+s23], $0x80, $0x38;
	[tilespmem:$0xA180] =	vst v63  }
0x61: {  	_ =	swait.ge [sflag:s13], $0x80  }
0x62: {  	[sflag:s13] =	ssyncset.done $0x0  }
0x63: {  	s28 =	sadd.s32 $0x6200, s26;
	[sflag:s13] =	ssyncadd.s32 $0xFFFFFF80  }
0x64: {  	[tilespmem:s14], [sflag:$0x2] =	stream.linear.gather [hbm4b:s28+s23], $0x80, $0x38;
	[tilespmem:$0xA180] =	vst v63  }
0x65: {  	_ =	swait.ge [sflag:s13], $0x80  }
0x66: {  	[sflag:s13] =	ssyncset.done $0x0  }
0x67: {  	s26 =	sadd.s32 $0xC400, s26;
	[sflag:s13] =	ssyncadd.s32 $0xFFFFFF80  }
0x68: {  	[tilespmem:s20], [sflag:$0x2] =	stream.linear.gather [hbm4b:s26+s23], $0x80, $0x38;
	[tilespmem:$0xA180] =	vst v63  }
0x69: {  	_ =	swait.ge [sflag:s13], $0x80  }
0x6a: {  	[sflag:s13] =	ssyncset.done $0x0  }
0x6b: {  	[sflag:s13] =	ssyncadd.s32 $0xFFFFFF80  }
0x6c: {  	[tilespmem:s15], [sflag:$0x1] =	stream.indirect.gather [hbm4b:s8+s14], $0x40, s23, s14, $0xb8;
	[tilespmem:$0xA180] =	vst v63  }
0x6d: {  	_ = 	snop  }
0x6e: {  	[tilespmem:s16], [sflag:$0x1] =	stream.indirect.gather [hbm4b:s8+s14], $0x40, s14, s14, $0xb8;
	[tilespmem:$0xA180] =	vst v63  }
0x6f: {  	s25 =	sshll.u32 s25, $0x3  }
0x70: {  	[tilespmem:s21], [sflag:$0x1] =	stream.indirect.gather [hbm4b:s8+s14], $0x40, s20, s14, $0xb8;
	[tilespmem:$0xA180] =	vst v63  }
0x71: {  	s31 =	sadd.s32 s2, s25  }
0x72: {  	[tilespmem:s17], [sflag:$0x2] =	stream.linear.gather [hbm4b:s31+s23], $0x2000, $0x38;
	[tilespmem:$0xA180] =	vst v63  }
0x73: {  	_ =	swait.ge [sflag:s13], $0x2000  }
0x74: {  	[sflag:s13] =	ssyncset.done $0x0  }
0x75: {  	[sflag:s13] =	ssyncadd.s32 $0xFFFFE000  }
0x76: {  	_ =	swait.ge [sflag:s18], $0x2000  }
0x77: {  	[sflag:s18] =	ssyncset.done $0x0  }
0x78: {  	[sflag:s18] =	ssyncadd.s32 $0xFFFFE000  }
0x79: {  	_ =	swait.ge [sflag:s18], $0x2000  }
0x7a: {  	[sflag:s18] =	ssyncset.done $0x0  }
0x7b: {  	[sflag:s18] =	ssyncadd.s32 $0xFFFFE000  }
0x7c: {  	_ =	swait.ge [sflag:s18], $0x2000  }
0x7d: {  	[sflag:s18] =	ssyncset.done $0x0  }
0x7e: {  	s26 =	simm.s32 $0x0;
	[sflag:s18] =	ssyncadd.s32 $0xFFFFE000  }
0x7f: {  	v0 =	vld [tilespmem:s26+$0x1B0]  }
0x80: {  	v1 =	vld [tilespmem:s26+$0x21B0]  }
0x81: {  	v2 =	vld [tilespmem:s26+$0x41B0]  }
0x82: {  	v3 =	vld [tilespmem:s26+$0x61B0]  }
0x83: {  	v5 =	vld [tilespmem:s26+$0x180]  }
0x84: {  	v6 =	vld [tilespmem:s26+$0x2180]  }
0x85: {  	v7 =	vld [tilespmem:s26+$0x190]  }
0x86: {  	v8 =	vld [tilespmem:s26+$0x2190]  }
0x87: {  	v9 =	vld [tilespmem:s26+$0x1A0]  }
0x88: {  	v10 =	vld [tilespmem:s26+$0x21A0]  }
0x89: {  	v11 =	vld [tilespmem:s26+$0x4180];
	v0 =	vmax.f32 v0, v1  }
0x8a: {  	v12 =	vld [tilespmem:s26+$0x4190];
	v0 =	vmax.f32 v0, v2  }
0x8b: {  	v1 =	vld [tilespmem:s26+$0x41A0];
	v0 =	vadd.f32 v3, v0  }
0x8c: {  	v4 =	vld [tilespmem:s26+$0x6180]  }
0x8d: {  	v2 =	vld [tilespmem:s26+$0x6190];
	v0 =	vmax.f32 v0, $0.0e+00  }
0x8e: {  	s28 =	simm.s32 $0x40;
	v7 =	vmax.f32 v7, v8;
	v3 =	vld [tilespmem:s26+$0x61A0];
	[tilespmem:s26+$0x81B0] =	vst v0;
	v0 =	vmax.f32 v5, v6  }
0x8f: {  	s29 =	simm.s32 $0x200;
	v7 =	vmax.f32 v7, v12;
	v5 =	vmax.f32 v9, v10;
	v6 =	vmax.f32 v0, v11;
	v0 =	vld [tilespmem:s28+$0x1B0]  }
.LBB2_7:
0x90: {  	p0 =	sne.s32 s29, $0x7F00;
	v8 =	vld [tilespmem:s28+$0x21B0];
	v1 =	vmax.f32 v5, v1  }
0x91: {  	v5 =	vld [tilespmem:s28+$0x41B0];
	v4 =	vadd.f32 v4, v6  }
0x92: {  	v6 =	vld [tilespmem:s28+$0x61B0];
	v2 =	vadd.f32 v2, v7  }
0x93: {  	v7 =	vld [tilespmem:s28+$0x180];
	v4 =	vmax.f32 v4, $0.0e+00;
	v1 =	vadd.f32 v3, v1  }
0x94: {  	v3 =	vld [tilespmem:s28+$0x2180];
	[tilespmem:s26+$0x8180] =	vst v4;
	v2 =	vmax.f32 v2, $0.0e+00  }
0x95: {  	v4 =	vld [tilespmem:s28+$0x190];
	v0 =	vmax.f32 v0, v8;
	[tilespmem:s26+$0x8190] =	vst v2;
	v1 =	vmax.f32 v1, $0.0e+00  }
0x96: {  	v2 =	vld [tilespmem:s28+$0x2190];
	v0 =	vmax.f32 v0, v5;
	[tilespmem:s26+$0x81A0] =	vst v1;
	s26 =	smov.u32 s28  }
0x97: {  	v5 =	vld [tilespmem:s26+$0x1A0];
	v0 =	vadd.f32 v6, v0  }
0x98: {  	v6 =	vld [tilespmem:s26+$0x21A0]  }
0x99: {  	v3 =	vmax.f32 v7, v3;
	v7 =	vld [tilespmem:s26+$0x4180];
	v0 =	vmax.f32 v0, $0.0e+00  }
0x9a: {  	v8 =	vld [tilespmem:s26+$0x4190];
	[tilespmem:s26+$0x81B0] =	vst v0  }
.Ltmp2:
0x9b: {  	v9 =	vmax.f32 v4, v2;
	v1 =	vld [tilespmem:s26+$0x41A0];
	(pc) =	sbr.rel @p0 .LBB2_7-.Ltmp2, $4  }
0x9c: {  	v4 =	vld [tilespmem:s26+$0x6180]  }
0x9d: {  	v2 =	vld [tilespmem:s26+$0x6190];
	v5 =	vmax.f32 v5, v6  }
0x9e: {  	s28 =	sshra.s32 s29, $0x2;
	v6 =	vmax.f32 v3, v7;
	v3 =	vld [tilespmem:s26+$0x61A0]  }
0x9f: {  	s29 =	sadd.s32 $0x100, s29;
	v0 =	vld [tilespmem:s28+$0x1B0];
	v7 =	vmax.f32 v9, v8  }
0xa0: {  	v8 =	vld [tilespmem:s28+$0x21B0]  }
0xa1: {  	v9 =	vld [tilespmem:s28+$0x41B0];
	v4 =	vadd.f32 v4, v6  }
0xa2: {  	v53 =	vld [tilespmem:s28+$0x61B0];
	v1 =	vmax.f32 v5, v1;
	v2 =	vadd.f32 v2, v7  }
0xa3: {  	v10 =	vld [tilespmem:s28+$0x180];
	v4 =	vmax.f32 v4, $0.0e+00;
	v1 =	vadd.f32 v3, v1  }
0xa4: {  	v54 =	vld [tilespmem:s28+$0x2180];
	[tilespmem:s26+$0x8180] =	vst v4;
	v2 =	vmax.f32 v2, $0.0e+00  }
0xa5: {  	v55 =	vld [tilespmem:s28+$0x190];
	[tilespmem:s26+$0x8190] =	vst v2;
	v1 =	vmax.f32 v1, $0.0e+00  }
0xa6: {  	v2 =	vld [tilespmem:s28+$0x2190];
	[tilespmem:s26+$0x81A0] =	vst v1  }
0xa7: {  	v1 =	vld [tilespmem:s28+$0x1A0]  }
0xa8: {  	v4 =	vld [tilespmem:s28+$0x21A0]  }
0xa9: {  	v56 =	vld [tilespmem:s28+$0x4180]  }
0xaa: {  	v57 =	vld [tilespmem:s28+$0x4190]  }
0xab: {  	v58 =	vld [tilespmem:s28+$0x41A0]  }
0xac: {  	v0 =	vmax.f32 v0, v8;
	v59 =	vld [tilespmem:s28+$0x6180]  }
0xad: {  	v0 =	vmax.f32 v0, v9;
	v60 =	vld [tilespmem:s28+$0x6190]  }
0xae: {  	v0 =	vadd.f32 v53, v0;
	v11 =	vld [tilespmem:s28+$0x61A0]  }
0xaf: {  	v7 =	vmax.f32 v10, v54  }
0xb0: {  	v0 =	vmax.f32 v0, $0.0e+00;
	v2 =	vmax.f32 v55, v2;
	v61 =	vmax.f32 v7, v56  }
0xb1: {  	v1 =	vmax.f32 v1, v4;
	v2 =	vmax.f32 v2, v57;
	v3 =	vadd.f32 v59, v61  }
0xb2: {  	[tilespmem:s28+$0x81B0] =	vst v0;
	v0 =	vmax.f32 v1, v58;
	v62 =	vadd.f32 v60, v2  }
0xb3: {  	v0 =	vadd.f32 v11, v0;
	v63 =	vmax.f32 v3, $0.0e+00  }
0xb4: {  	s24 =	sadd.s32 $0x1, s24;
	v1 =	vmax.f32 v62, $0.0e+00;
	[tilespmem:s28+$0x8180] =	vst v63  }
0xb5: {  	p0 =	sne.s32 s24, $0x31;
	[tilespmem:s28+$0x8190] =	vst v1;
	v0 =	vmax.f32 v0, $0.0e+00  }
.Ltmp3:
0xb6: {  	s25 =	sadd.s32 s10, s25;
	[tilespmem:s28+$0x81A0] =	vst v0;
	(pc) =	sbr.rel @p0 .LBB2_6-.Ltmp3, $4  }
0xb7: {  	[hbm4b:s25+s5] =	stream.linear.scatter [tilespmem:s19], [sflag:$0x2], $0x2000, $0x38;
	[tilespmem:$0xA180] =	vst v63  }
0xb8: {  	_ =	swait.ge [sflag:s13], $0x2000  }
0xb9: {  	[sflag:s13] =	ssyncset.done $0x0  }
0xba: {  	[sflag:s13] =	ssyncadd.s32 $0xFFFFE000  }
0xbb: {  	s22 =	sadd.s32 $0x1, s22  }
0xbc: {  	p0 =	sne.s32 s22, s12  }
.Ltmp4:
0xbd: {  	_ = 	snop;
	(pc) =	sbr.rel @p0 .LBB2_1-.Ltmp4, $1  }
0xbe: {  	_ =	sdelay $0x3  }
0xbf: {  	_ =	sfence.sel $0x180000  }
0xc0: {  	[bflag:$0x0] =	sbarrier.arrive $0xFFFF  }
0xc1: {  	p0 =	sne.s32 s6, $0x0;
	_ =	strace $0x90000047  }
0xc2: {  	s0 =	sadd.s32 @!p0 $0x100000, s0;
	[bflag:$0x2] =	sbarrier.arrive $0xFFFF  }
0xc3: {  	[sflag:s0] =	ssyncadd.tile.s32 @!p0 $0x1;
	_ =	shalt  }
.Lfunc_end2:
_tile_overlayer_lowered:
.L_overlay_start_2:
0xc4: {  	(tag) =	ssettag $0x2  }
0xc5: {  	s0 =	rddreg [dreg:$0x0];
	s2 =	stileid.u32  }
0xc6: {  	s1 =	rddreg [dreg:$0x1];
	p0 =	sne.s32 s2, $0x0  }
0xc7: {  	s3 =	rddreg [dreg:$0x2];
	[bflag:$0x3] =	sbarrier.arrive $0xFFFF;
	s2 =	simm.s32 @!p0 $0x1C02  }
0xc8: {  	[timem:s3], [sflag:s2] =	dma.local @!p0 [hbm:s0], s1  }
0xc9: {  	s0 =	simm.s32 @!p0 $0x2  }
0xca: {  	_ =	swait.ge @!p0 [sflag:s0], s1  }
0xcb: {  	s1 =	ssub.s32 @!p0 $0x0, s1;
	[sflag:s0] =	ssyncset.done @!p0 $0x0  }
0xcc: {  	[sflag:s0] =	ssyncadd.s32 @!p0 s1  }
0xcd: {  	[bflag:$0x3] =	sbarrier.arrive $0xFFFF  }
0xce: {  	_ =	shalt  }

// kernel: sparse-core-data-format-call.1.cloned.1.call-start
scs
called_computation.1_lowered:
.L_overlay_start_0:
0x0: {  	s2 =	sld [smem:$0x3FD9]  }
0x1: {  	s3 =	sld [smem:$0x3FFE];
	_ =	sdelay $0x1  }
0x2: {  	s1 =	srdreg.scid  }
0x3: {  	s0 =	sand.u32 $0x1, s1  }
0x4: {  	s15 =	sshll.u32 s0, $0xA;
	s2 =	sadd.s32 s3, s2  }
0x5: {  	s2 =	sadd.s32 s2, s15  }
0x6: {  	[smem:$0x3FC2] =	sst s2  }
0x7: {  	_ = 	snop  }
0x8: {  	s2 =	sld [smem:$0x3FD0];
	_ =	sdelay $0x2  }
0x9: {  	s16 =	simm.s32 $0xB;
	s4 =	simm.s32 $0x10  }
0xa: {  	[smem:s4], [sflag:s16] =	dma.local [hbm:s2], $0x1  }
0xb: {  	_ =	swait.eq [sflag:s16], $0x1  }
0xc: {  	[sflag:s16] =	ssyncset.done $0x0  }
0xd: {  	[sflag:s16] =	ssyncadd.s32 $0xFFFFFFFF  }
0xe: {  	s17 =	sld [smem:$0x10];
	(tm) =	ssettm $0x1  }
0xf: {  	s18 =	sld [smem:$0x3FFB];
	_ =	sdelay $0x3  }
0x10: {  	_ =	strace s18  }
0x11: {  	s3 =	sld [smem:$0x3FFC];
	_ =	sdelay $0x3  }
0x12: {  	_ =	strace s3  }
0x13: {  	s3 =	sld [smem:$0x3FFD];
	_ =	sdelay $0x3  }
0x14: {  	_ =	strace s3  }
0x15: {  	_ =	strace $0x8FFFFFFF  }
0x16: {  	s19 =	sld [smem:$0x3FDB];
	_ =	sdelay $0x1  }
0x17: {  	s20 =	simm.s32 $_scs_section_size  }
0x18: {  	s5 =	simm.s32 $_size__tile_overlayer_lowered;
	s6 =	simm.s32 $_tile_overlayer_lowered  }
0x19: {  	s23 =	simm.s32 $0x1BFF;
	s22 =	sshll.u32 s6, $0x1;
	s3 =	sadd.s32 s20, s19  }
0x1a: {  	s7 =	simm.s32 $0x0;
	s21 =	sshll.u32 s5, $0x1;
	s5 =	sadd.s32 s22, s3  }
0x1b: {  	[timem:s7], [sflag:s23] =	dma.local [hbm:s5], s21  }
0x1c: {  	_ =	swait.ge [sflag:s23], s21  }
0x1d: {  	s4 =	ssub.s32 $0x0, s21;
	[sflag:s23] =	ssyncset.done $0x0  }
0x1e: {  	[sflag:s23] =	ssyncadd.s32 s4;
	_ =	sdelay $0x1  }
0x1f: {  	s24 =	simm.s32 $0x1B8B  }
0x20: {  	_ =	swait.ge [sflag:s24], $0x1  }
0x21: {  	[sflag:s24] =	ssyncset.done $0x0  }
0x22: {  	s26 =	simm.s32 $0x1B8E;
	s25 =	sld [smem:$0x3FFE];
	[sflag:s24] =	ssyncadd.s32 $0xFFFFFFFF  }
0x23: {  	s27 =	simm.s32 $execute0_lowered;
	[smem:$0x3FD2] =	sst s26  }
0x24: {  	s5 =	sshll.u32 s27, $0x1;
	_ =	strace $0x80000049;
	[dreg:$0x1] =	wrdreg $0xFFFFFFFF  }
0x25: {  	s28 =	simm.s32 $_size_execute0_lowered;
	s3 =	sadd.s32 s3, s5;
	[dreg:$0x0] =	wrdreg $0x0  }
0x26: {  	s5 =	sshll.u32 s28, $0x1;
	[dreg:$0x2] =	wrdreg s3  }
0x27: {  	[dreg:$0x3] =	wrdreg s5  }
0x28: {  	[dreg:$0x4] =	wrdreg $0xC0  }
0x29: {  	_ =	task [dreg:s7], $0x5FFFF  }
0x2a: {  	[dreg:$0x1] =	wrdreg $0xFFFFFFFF  }
0x2b: {  	[dreg:$0x0] =	wrdreg $0x60  }
0x2c: {  	[dreg:$0x2] =	wrdreg s25  }
0x2d: {  	[dreg:$0x3] =	wrdreg s17  }
0x2e: {  	[dreg:$0x4] =	wrdreg $0xA  }
0x2f: {  	_ =	task.clear_ibuf [dreg:s7], $0x5FFFF;
	_ =	strace $0x90000049  }
0x30: {  	s29 =	simm.s32 $0xA;
	_ =	strace $0x8000004B  }
0x31: {  	_ =	swait.ge [sflag:s29], $0x1  }
0x32: {  	[sflag:s29] =	ssyncadd.s32 $0xFFFFFFFF  }
0x33: {  	_ =	strace $0x9000004B  }
0x34: {  	_ =	sfence  }
0x35: {  	s30 =	sld [smem:$0x0];
	_ =	sdelay $0x2  }
0x36: {  	s31 =	sshll.u32 s1, $0xD;
	s1 =	sshrl.u32 s1, $0x2  }
0x37: {  	s3 =	sand.u32 $0x4000, s31;
	s1 =	sadd.s32 s1, s30  }
0x38: {  	s0 =	sor.u32 s3, s0;
	s1 =	sshll.u32 s1, $0x11  }
0x39: {  	s0 =	sor.u32 s1, s0  }
0x3a: {  	s0 =	sadd.s32 $0x8F2B, s0  }
0x3b: {  	[sflag:s0] =	ssyncadd.remote.s32 $0x1  }
0x3c: {  	_ =	sfence.sel $0xFFFF  }
0x3d: {  	[dreg:$0x0] =	wrdreg $0xFFFFFFFF;
	(pc) =	sbr.abs _section_cstart, $3  }
0x3e: {  	[dreg:$0x1] =	wrdreg $0xFFFFFFFF  }
0x3f: {  	_ =	task.clear_ibuf [dreg:s7], $0x2FFFF;
	_ =	strace $0x9FFFFFFF  }
0x40: {  	(tm) =	ssettm $0x7FFFFFFF  }
0x41: {  	_ =	shalt  }
tec
execute0_lowered:
.L_overlay_start_1:
0x0: {  	(tag) =	ssettag $0x1  }
0x1: {  	s0 =	srdreg.scid  }
0x2: {  	s1 =	sshll.u32 s0, $0x4  }
0x3: {  	s4 =	rddreg [dreg:$0x0];
	s0 =	stileid.u32;
	s1 =	sand.u32 $0x10, s1  }
0x4: {  	s2 =	rddreg [dreg:$0x1];
	s7 =	simm.s32 $0x1;
	s1 =	sor.u32 s0, s1  }
0x5: {  	s8 =	simm.s32 $0x2;
	s11 =	simm.s32 $0x0;
	s3 =	sshll.u32 s1, $0x7  }
0x6: {  	s10 =	simm.s32 $0x0;
	s4 =	sadd.s32 $0x3D5000, s4;
	s6 =	ssub.s32 $0x31000, s3  }
.Ltmp0:
0x7: {  	s1 =	rddreg [dreg:$0x2];
	s5 =	sand.u32 $0xF80, s6;
	(pc) =	sbr.rel .LBB1_1-.Ltmp0, $4  }
0x8: {  	_ =	strace $0x8000004A;
	s9 =	smov.u32 s3;
	p0 =	sne.s32 s5, $0x0  }
0x9: {  	s6 =	sshrl.u32 s6, $0xC;
	s5 =	simm.s32 $0x1;
	s7 =	simm.s32 @!p0 $0x0  }
0xa: {  	[sflag:s5] =	ssyncpa.u1 $0x0;
	p0 =	por $0x0, $0x0;
	s6 =	sadd.s32 s7, s6  }
0xb: {  	[sflag:s8] =	ssyncpa.u1 $0x0;
	s8 =	simm.s32 $0x188000;
	s7 =	sadd.s32 $0x1, s6  }
.LBB1_4:
0xc: {  	s14 =	sshll.u32 s11, $0x3  }
0xd: {  	s30 =	sand.u32 $0x7F, s11;
	s15 =	sand.u32 $0xFFFFFC00, s14  }
0xe: {  	s11 =	sor.u32 s30, s15  }
0xf: {  	s15 =	smulhi.u32 $0x5397829D, s11  }
0x10: {  	s14 =	smulhi.u32 $0x5397829D, s14  }
0x11: {  	s15 =	sshrl.u32 s15, $0x10  }
0x12: {  	s14 =	sshrl.u32 s14, $0x10;
	s15 =	smul.u32 $0x31000, s15  }
0x13: {  	s14 =	sand.u32 $0x3F, s14  }
0x14: {  	s14 =	smul.u32 $0x6200, s14;
	s11 =	ssub.s32 s11, s15  }
0x15: {  	[tilespmem:s13+$0x810 ss:$0x81] =	vst.msk $0xffff, v2;
	s15 =	sand.u32 $0x7, s11  }
0x16: {  	[tilespmem:s13+$0x1020 ss:$0x81] =	vst.msk $0xffff, v0;
	s14 =	sadd.s32 s2, s14;
	s11 =	sshrl.u32 s11, $0x3;
	s15 =	sshll.u32 s15, $0x12  }
0x17: {  	[tilespmem:s13+$0x0 ss:$0x81] =	vst.msk $0xffff, v1;
	s11 =	sadd.s32 s11, s14;
	s31 =	sor.u32 $0x400, s15  }
0x18: {  	[hbm4b:s11+s31] =	stream.strided.scatter [tilespmem:s12], [sflag:$0x2], $0x2000, s8, s31, $0x20;
	[tilespmem:$0x8080] =	vst v63  }
.LBB1_5:
0x19: {  	s13 =	sadd.s32 $0x1000, s9  }
0x1a: {  	p2 =	sgt.s32 s13, $0x30FFF  }
0x1b: {  	s13 =	smov.u32 @p2 s3;
	p2 =	sne.s32 s10, s7  }
.Ltmp1:
0x1c: {  	p1 =	slt.u32 s10, $0x2;
	(pc) =	sbr.rel @!p2 .LBB1_6-.Ltmp1, $4  }
0x1d: {  	s12 =	simm.s32 @!p1 $0x2  }
0x1e: {  	s14 =	sadd.s32 $0x1, s10;
	_ =	swait.ge @!p1 [sflag:s12], $0x2000  }
0x1f: {  	s11 =	smov.u32 s9;
	p0 =	por !p0, !p0;
	[sflag:s12] =	ssyncset.done @!p1 $0x0  }
0x20: {  	s10 =	smov.u32 s14;
	s9 =	smov.u32 s13;
	[sflag:s12] =	ssyncadd.s32 @!p1 $0xFFFFE000  }
.LBB1_1:
0x21: {  	p1 =	sge.u32 s10, s6  }
0x22: {  	s12 =	sand.u32 @!p1 $0x1FFFFFF, s9  }
0x23: {  	s13 =	smulhi.u32 @!p1 $0x14E5E0B, s12;
	_ =	sdelay $0x1  }
0x24: {  	s13 =	sshrl.u32 @!p1 s13, $0xA  }
0x25: {  	s13 =	smul.u32 @!p1 $0x31000, s13;
	_ =	sdelay $0x1  }
0x26: {  	s31 =	sadd.s32 $0xFFFFFFFF, s10;
	s14 =	sxor.u32 @!p1 $0xFFFFFFFF, s10;
	s12 =	ssub.s32 @!p1 s12, s13  }
0x27: {  	s15 =	simm.s32 @!p1 $0x80;
	s14 =	sshll.u32 @!p1 s14, $0xD;
	s12 =	sshll.u32 @!p1 s12, $0x4  }
0x28: {  	s13 =	sand.u32 @!p1 $0x2000, s14;
	s14 =	simm.s32 @!p1 $0x40;
	s12 =	sadd.s32 @!p1 s4, s12  }
0x29: {  	[tilespmem:s13], [sflag:$0x1] =	stream.strided.gather @!p1 [hbm4b:s12+s14], $0x2000, s15, s14, $0x38;
	[tilespmem:$0x8080] =	vst v63  }
0x2a: {  	p1 =	sge.u32 s31, s6  }
.Ltmp2:
0x2b: {  	_ = 	snop;
	(pc) =	sbr.rel @p1 .LBB1_5-.Ltmp2, $1  }
0x2c: {  	_ =	sdelay $0x3  }
0x2d: {  	s12 =	simm.s32 $0x1  }
0x2e: {  	_ =	swait.ge [sflag:s5], $0x2000;
	s12 =	simm.s32 @!p0 $0x0  }
0x2f: {  	[sflag:s5] =	ssyncset.done $0x0;
	s13 =	sshll.u32 s12, $0xD  }
0x30: {  	[sflag:s5] =	ssyncadd.s32 $0xFFFFE000;
	s16 =	sor.u32 $0x20, s13  }
0x31: {  	s12 =	smul.u32 $0x8100, s12;
	v3 =	vld [tilespmem:s16+$0x10]  }
0x32: {  	s30 =	sand.u32 $0x1, s10;
	v2 =	vld [tilespmem:s16+$0xFFFFFFF0]  }
0x33: {  	s13 =	smul.u32 $0x8100, s30;
	s12 =	sshrl.u32 s12, $0x2;
	v0 =	vld [tilespmem:s16+$0x0]  }
0x34: {  	v1 =	vld [tilespmem:s16+$0xFFFFFFE0];
	s14 =	sor.u32 $0x4000, s12  }
0x35: {  	s31 =	sshrl.u32 s13, $0x2;
	s13 =	sadd.s32 $0x0, s14  }
0x36: {  	s15 =	simm.s32 $0x4;
	s16 =	sadd.s32 $0x40, s16;
	s12 =	sor.u32 $0x4000, s31;
	[tilespmem:s13+$0x1830 ss:$0x81] =	vst.msk $0xffff, v3  }
.LBB1_3:
0x37: {  	v3 =	vld [tilespmem:s16+$0x10];
	p1 =	sne.s32 s15, $0x1FC;
	[tilespmem:s13+$0x810 ss:$0x81] =	vst.msk $0xffff, v2;
	s17 =	smov.u32 s15;
	s15 =	sadd.s32 $0x4, s15  }
.Ltmp3:
0x38: {  	v2 =	vld [tilespmem:s16+$0xFFFFFFF0];
	[tilespmem:s13+$0x1020 ss:$0x81] =	vst.msk $0xffff, v0;
	(pc) =	sbr.rel @p1 .LBB1_3-.Ltmp3, $4  }
0x39: {  	v0 =	vld [tilespmem:s16+$0x0];
	[tilespmem:s13+$0x0 ss:$0x81] =	vst.msk $0xffff, v1  }
0x3a: {  	s13 =	sshra.s32 s17, $0x2;
	v1 =	vld [tilespmem:s16+$0xFFFFFFE0]  }
0x3b: {  	s13 =	sadd.s32 s13, s14  }
0x3c: {  	s16 =	sadd.s32 $0x40, s16;
	[tilespmem:s13+$0x1830 ss:$0x81] =	vst.msk $0xffff, v3  }
.Ltmp4:
0x3d: {  	_ = 	snop;
	(pc) =	sbr.rel .LBB1_4-.Ltmp4, $1  }
0x3e: {  	_ =	sdelay $0x3  }
.LBB1_6:
0x3f: {  	_ =	sfence.sel $0x180000  }
0x40: {  	s2 =	simm.s32 $0x1;
	[bflag:$0x0] =	sbarrier.arrive $0xFFFF  }
0x41: {  	s31 =	simm.s32 $0x2;
	[sflag:s2] =	ssyncpa.u1 $0x1  }
0x42: {  	[sflag:s31] =	ssyncpa.u1 $0x1  }
0x43: {  	p0 =	sne.s32 s0, $0x0;
	_ =	strace $0x9000004A  }
0x44: {  	s0 =	sadd.s32 @!p0 $0x100000, s1;
	[bflag:$0x2] =	sbarrier.arrive $0xFFFF  }
0x45: {  	[sflag:s0] =	ssyncadd.tile.s32 @!p0 $0x1;
	_ =	shalt  }
.Lfunc_end1:
_tile_overlayer_lowered:
.L_overlay_start_2:
0x46: {  	(tag) =	ssettag $0x2  }
0x47: {  	s0 =	rddreg [dreg:$0x0];
	s2 =	stileid.u32  }
0x48: {  	s1 =	rddreg [dreg:$0x1];
	p0 =	sne.s32 s2, $0x0  }
0x49: {  	s3 =	rddreg [dreg:$0x2];
	[bflag:$0x3] =	sbarrier.arrive $0xFFFF;
	s2 =	simm.s32 @!p0 $0x1C01  }
0x4a: {  	[timem:s3], [sflag:s2] =	dma.local @!p0 [hbm:s0], s1  }
0x4b: {  	s0 =	simm.s32 @!p0 $0x1  }
0x4c: {  	_ =	swait.ge @!p0 [sflag:s0], s1  }
0x4d: {  	s1 =	ssub.s32 @!p0 $0x0, s1;
	[sflag:s0] =	ssyncset.done @!p0 $0x0  }
0x4e: {  	[sflag:s0] =	ssyncadd.s32 @!p0 s1  }
0x4f: {  	[bflag:$0x3] =	sbarrier.arrive $0xFFFF  }
0x50: {  	_ =	shalt  }

// kernel: sparse-core-data-format-call.cloned.1.call-start
scs
called_computation_lowered:
.L_overlay_start_0:
0x0: {  	s2 =	sld [smem:$0x3FD9]  }
0x1: {  	s3 =	sld [smem:$0x3FFE];
	_ =	sdelay $0x1  }
0x2: {  	s1 =	srdreg.scid  }
0x3: {  	s0 =	sand.u32 $0x1, s1  }
0x4: {  	s16 =	sshll.u32 s0, $0xA;
	s2 =	sadd.s32 s3, s2  }
0x5: {  	s2 =	sadd.s32 s2, s16  }
0x6: {  	[smem:$0x3FC2] =	sst s2  }
0x7: {  	_ = 	snop  }
0x8: {  	s2 =	sld [smem:$0x3FD0];
	_ =	sdelay $0x2  }
0x9: {  	s17 =	simm.s32 $0xB;
	s4 =	simm.s32 $0x10  }
0xa: {  	[smem:s4], [sflag:s17] =	dma.local [hbm:s2], $0x1  }
0xb: {  	_ =	swait.eq [sflag:s17], $0x1  }
0xc: {  	[sflag:s17] =	ssyncset.done $0x0  }
0xd: {  	[sflag:s17] =	ssyncadd.s32 $0xFFFFFFFF  }
0xe: {  	s18 =	sld [smem:$0x11];
	(tm) =	ssettm $0x1  }
0xf: {  	s19 =	sld [smem:$0x3FFB];
	_ =	sdelay $0x3  }
0x10: {  	_ =	strace s19  }
0x11: {  	s2 =	sld [smem:$0x3FFC];
	_ =	sdelay $0x3  }
0x12: {  	_ =	strace s2  }
0x13: {  	s2 =	sld [smem:$0x3FFD];
	_ =	sdelay $0x3  }
0x14: {  	_ =	strace s2  }
0x15: {  	_ =	strace $0x8FFFFFFF  }
0x16: {  	s20 =	sld [smem:$0x3FDB];
	_ =	sdelay $0x1  }
0x17: {  	s21 =	simm.s32 $_scs_section_size  }
0x18: {  	s5 =	simm.s32 $_size__tile_overlayer_lowered;
	s6 =	simm.s32 $_tile_overlayer_lowered  }
0x19: {  	s7 =	simm.s32 $0x1BFF;
	s22 =	sshll.u32 s6, $0x1;
	s4 =	sadd.s32 s21, s20  }
0x1a: {  	s23 =	simm.s32 $0x0;
	s5 =	sshll.u32 s5, $0x1;
	s6 =	sadd.s32 s22, s4  }
0x1b: {  	[timem:s23], [sflag:s7] =	dma.local [hbm:s6], s5  }
0x1c: {  	_ =	swait.ge [sflag:s7], s5  }
0x1d: {  	s5 =	ssub.s32 $0x0, s5;
	[sflag:s7] =	ssyncset.done $0x0  }
0x1e: {  	[sflag:s7] =	ssyncadd.s32 s5;
	_ =	sdelay $0x1  }
0x1f: {  	s24 =	simm.s32 $0x1B8B  }
0x20: {  	_ =	swait.ge [sflag:s24], $0x1  }
0x21: {  	[sflag:s24] =	ssyncset.done $0x0  }
0x22: {  	[sflag:s24] =	ssyncadd.s32 $0xFFFFFFFF  }
0x23: {  	s5 =	sld [smem:$0x0]  }
0x24: {  	s6 =	sand.u32 $0xFFFFFFFE, s1  }
0x25: {  	p0 =	sne.s32 s1, s6  }
0x26: {  	s6 =	sshll.u32 @p0 s6, $0xE  }
0x27: {  	s6 =	sadd.s32 @p0 $0x11B8D, s6;
	s7 =	sshll.u32 @p0 s5, $0x11  }
0x28: {  	s6 =	sor.u32 @p0 s7, s6  }
0x29: {  	[sflag:s6] =	ssyncadd.remote.s32 @p0 $0x1;
	_ =	sdelay $0x1  }
0x2a: {  	s6 =	simm.s32 @p0 $0x1B8D  }
0x2b: {  	_ =	swait.eq @p0 [sflag:s6], $0x1  }
0x2c: {  	[sflag:s6] =	ssyncadd.s32 @p0 $0xFFFFFFFF  }
0x2d: {  	s7 =	sshll.u32 @!p0 s1, $0xE  }
0x2e: {  	s7 =	sor.u32 @!p0 $0x4000, s7;
	s6 =	simm.s32 @!p0 $0x1B8D  }
0x2f: {  	s5 =	sshll.u32 @!p0 s5, $0x11;
	s7 =	sadd.s32 @!p0 $0x11B8D, s7;
	_ =	swait.eq @!p0 [sflag:s6], $0x1  }
0x30: {  	s5 =	sor.u32 @!p0 s5, s7;
	[sflag:s6] =	ssyncadd.s32 @!p0 $0xFFFFFFFF  }
0x31: {  	s26 =	simm.s32 $0x1B8E;
	s25 =	sld [smem:$0x3FFE];
	[sflag:s5] =	ssyncadd.remote.s32 @!p0 $0x1  }
0x32: {  	s27 =	simm.s32 $execute0_lowered;
	[smem:$0x3FD2] =	sst s26  }
0x33: {  	s6 =	sshll.u32 s27, $0x1;
	_ =	strace $0x8000004C;
	[dreg:$0x1] =	wrdreg $0xFFFFFFFF  }
0x34: {  	s28 =	simm.s32 $_size_execute0_lowered;
	s4 =	sadd.s32 s4, s6;
	[dreg:$0x0] =	wrdreg $0x0  }
0x35: {  	s6 =	sshll.u32 s28, $0x1;
	[dreg:$0x2] =	wrdreg s4  }
0x36: {  	[dreg:$0x3] =	wrdreg s6  }
0x37: {  	[dreg:$0x4] =	wrdreg $0xC0  }
0x38: {  	_ =	task [dreg:s23], $0x5FFFF  }
0x39: {  	[dreg:$0x1] =	wrdreg $0xFFFFFFFF  }
0x3a: {  	[dreg:$0x0] =	wrdreg $0x60  }
0x3b: {  	[dreg:$0x2] =	wrdreg s25  }
0x3c: {  	[dreg:$0x3] =	wrdreg s18  }
0x3d: {  	[dreg:$0x4] =	wrdreg $0x9  }
0x3e: {  	_ =	task.clear_ibuf [dreg:s23], $0x5FFFF;
	_ =	strace $0x9000004C  }
0x3f: {  	s29 =	simm.s32 $0x9;
	_ =	strace $0x8000004E  }
0x40: {  	_ =	swait.ge [sflag:s29], $0x1  }
0x41: {  	[sflag:s29] =	ssyncadd.s32 $0xFFFFFFFF  }
0x42: {  	_ =	strace $0x9000004E  }
0x43: {  	_ =	sfence  }
0x44: {  	s30 =	sld [smem:$0x0];
	_ =	sdelay $0x2  }
0x45: {  	s31 =	sshll.u32 s1, $0xD;
	s1 =	sshrl.u32 s1, $0x2  }
0x46: {  	s4 =	sand.u32 $0x4000, s31;
	s1 =	sadd.s32 s1, s30  }
0x47: {  	s0 =	sor.u32 s4, s0;
	s1 =	sshll.u32 s1, $0x11  }
0x48: {  	s0 =	sor.u32 s1, s0  }
0x49: {  	s0 =	sadd.s32 $0x8F2B, s0  }
0x4a: {  	[sflag:s0] =	ssyncadd.remote.s32 $0x1  }
0x4b: {  	_ =	sfence.sel $0xFFFF  }
0x4c: {  	[dreg:$0x0] =	wrdreg $0xFFFFFFFF;
	(pc) =	sbr.abs _section_cstart, $3  }
0x4d: {  	[dreg:$0x1] =	wrdreg $0xFFFFFFFF  }
0x4e: {  	_ =	task.clear_ibuf [dreg:s23], $0x2FFFF;
	_ =	strace $0x9FFFFFFF  }
0x4f: {  	(tm) =	ssettm $0x7FFFFFFF  }
tec
execute0_lowered:
.L_overlay_start_1:
0x0: {  	(tag) =	ssettag $0x1  }
0x1: {  	s0 =	srdreg.scid  }
0x2: {  	s1 =	sshll.u32 s0, $0x4  }
0x3: {  	s4 =	rddreg [dreg:$0x0];
	s0 =	stileid.u32;
	s1 =	sand.u32 $0x10, s1  }
0x4: {  	s2 =	rddreg [dreg:$0x1];
	s7 =	simm.s32 $0x1;
	s1 =	sor.u32 s0, s1  }
0x5: {  	s8 =	simm.s32 $0x2;
	s11 =	simm.s32 $0x0;
	s3 =	sshll.u32 s1, $0x7  }
0x6: {  	s10 =	simm.s32 $0x0;
	s4 =	sadd.s32 $0x6E5000, s4;
	s6 =	ssub.s32 $0x31000, s3  }
.Ltmp0:
0x7: {  	s1 =	rddreg [dreg:$0x2];
	s5 =	sand.u32 $0xF80, s6;
	(pc) =	sbr.rel .LBB1_1-.Ltmp0, $4  }
0x8: {  	_ =	strace $0x8000004D;
	s9 =	smov.u32 s3;
	p0 =	sne.s32 s5, $0x0  }
0x9: {  	s6 =	sshrl.u32 s6, $0xC;
	s5 =	simm.s32 $0x1;
	s7 =	simm.s32 @!p0 $0x0  }
0xa: {  	[sflag:s5] =	ssyncpa.u1 $0x0;
	p0 =	por $0x0, $0x0;
	s6 =	sadd.s32 s7, s6  }
0xb: {  	[sflag:s8] =	ssyncpa.u1 $0x0;
	s8 =	simm.s32 $0x188000;
	s7 =	sadd.s32 $0x1, s6  }
.LBB1_4:
0xc: {  	s14 =	sshll.u32 s11, $0x3  }
0xd: {  	s30 =	sand.u32 $0x7F, s11;
	s15 =	sand.u32 $0xFFFFFC00, s14  }
0xe: {  	s11 =	sor.u32 s30, s15  }
0xf: {  	s15 =	smulhi.u32 $0x5397829D, s11  }
0x10: {  	s14 =	smulhi.u32 $0x5397829D, s14  }
0x11: {  	s15 =	sshrl.u32 s15, $0x10  }
0x12: {  	s14 =	sshrl.u32 s14, $0x10;
	s15 =	smul.u32 $0x31000, s15  }
0x13: {  	s14 =	sand.u32 $0x3F, s14  }
0x14: {  	s14 =	smul.u32 $0x6200, s14;
	s11 =	ssub.s32 s11, s15  }
0x15: {  	[tilespmem:s13+$0x810 ss:$0x81] =	vst.msk $0xffff, v2;
	s15 =	sand.u32 $0x7, s11  }
0x16: {  	[tilespmem:s13+$0x1020 ss:$0x81] =	vst.msk $0xffff, v0;
	s14 =	sadd.s32 s2, s14;
	s11 =	sshrl.u32 s11, $0x3;
	s15 =	sshll.u32 s15, $0x12  }
0x17: {  	[tilespmem:s13+$0x0 ss:$0x81] =	vst.msk $0xffff, v1;
	s11 =	sadd.s32 s11, s14;
	s31 =	sor.u32 $0x400, s15  }
0x18: {  	[hbm4b:s11+s31] =	stream.strided.scatter [tilespmem:s12], [sflag:$0x2], $0x2000, s8, s31, $0x20;
	[tilespmem:$0x8080] =	vst v63  }
.LBB1_5:
0x19: {  	s13 =	sadd.s32 $0x1000, s9  }
0x1a: {  	p2 =	sgt.s32 s13, $0x30FFF  }
0x1b: {  	s13 =	smov.u32 @p2 s3;
	p2 =	sne.s32 s10, s7  }
.Ltmp1:
0x1c: {  	p1 =	slt.u32 s10, $0x2;
	(pc) =	sbr.rel @!p2 .LBB1_6-.Ltmp1, $4  }
0x1d: {  	s12 =	simm.s32 @!p1 $0x2  }
0x1e: {  	s14 =	sadd.s32 $0x1, s10;
	_ =	swait.ge @!p1 [sflag:s12], $0x2000  }
0x1f: {  	s11 =	smov.u32 s9;
	p0 =	por !p0, !p0;
	[sflag:s12] =	ssyncset.done @!p1 $0x0  }
0x20: {  	s10 =	smov.u32 s14;
	s9 =	smov.u32 s13;
	[sflag:s12] =	ssyncadd.s32 @!p1 $0xFFFFE000  }
.LBB1_1:
0x21: {  	p1 =	sge.u32 s10, s6  }
0x22: {  	s12 =	sand.u32 @!p1 $0x1FFFFFF, s9  }
0x23: {  	s13 =	smulhi.u32 @!p1 $0x14E5E0B, s12;
	_ =	sdelay $0x1  }
0x24: {  	s13 =	sshrl.u32 @!p1 s13, $0xA  }
0x25: {  	s13 =	smul.u32 @!p1 $0x31000, s13;
	_ =	sdelay $0x1  }
0x26: {  	s31 =	sadd.s32 $0xFFFFFFFF, s10;
	s14 =	sxor.u32 @!p1 $0xFFFFFFFF, s10;
	s12 =	ssub.s32 @!p1 s12, s13  }
0x27: {  	s15 =	simm.s32 @!p1 $0x80;
	s14 =	sshll.u32 @!p1 s14, $0xD;
	s12 =	sshll.u32 @!p1 s12, $0x4  }
0x28: {  	s13 =	sand.u32 @!p1 $0x2000, s14;
	s14 =	simm.s32 @!p1 $0x40;
	s12 =	sadd.s32 @!p1 s4, s12  }
0x29: {  	[tilespmem:s13], [sflag:$0x1] =	stream.strided.gather @!p1 [hbm4b:s12+s14], $0x2000, s15, s14, $0x38;
	[tilespmem:$0x8080] =	vst v63  }
0x2a: {  	p1 =	sge.u32 s31, s6  }
.Ltmp2:
0x2b: {  	_ = 	snop;
	(pc) =	sbr.rel @p1 .LBB1_5-.Ltmp2, $1  }
0x2c: {  	_ =	sdelay $0x3  }
0x2d: {  	s12 =	simm.s32 $0x1  }
0x2e: {  	_ =	swait.ge [sflag:s5], $0x2000;
	s12 =	simm.s32 @!p0 $0x0  }
0x2f: {  	[sflag:s5] =	ssyncset.done $0x0;
	s13 =	sshll.u32 s12, $0xD  }
0x30: {  	[sflag:s5] =	ssyncadd.s32 $0xFFFFE000;
	s16 =	sor.u32 $0x20, s13  }
0x31: {  	s12 =	smul.u32 $0x8100, s12;
	v3 =	vld [tilespmem:s16+$0x10]  }
0x32: {  	s30 =	sand.u32 $0x1, s10;
	v2 =	vld [tilespmem:s16+$0xFFFFFFF0]  }
0x33: {  	s13 =	smul.u32 $0x8100, s30;
	s12 =	sshrl.u32 s12, $0x2;
	v0 =	vld [tilespmem:s16+$0x0]  }
0x34: {  	v1 =	vld [tilespmem:s16+$0xFFFFFFE0];
	s14 =	sor.u32 $0x4000, s12  }
0x35: {  	s31 =	sshrl.u32 s13, $0x2;
	s13 =	sadd.s32 $0x0, s14  }
0x36: {  	s15 =	simm.s32 $0x4;
	s16 =	sadd.s32 $0x40, s16;
	s12 =	sor.u32 $0x4000, s31;
	[tilespmem:s13+$0x1830 ss:$0x81] =	vst.msk $0xffff, v3  }
.LBB1_3:
0x37: {  	v3 =	vld [tilespmem:s16+$0x10];
	p1 =	sne.s32 s15, $0x1FC;
	[tilespmem:s13+$0x810 ss:$0x81] =	vst.msk $0xffff, v2;
	s17 =	smov.u32 s15;
	s15 =	sadd.s32 $0x4, s15  }
.Ltmp3:
0x38: {  	v2 =	vld [tilespmem:s16+$0xFFFFFFF0];
	[tilespmem:s13+$0x1020 ss:$0x81] =	vst.msk $0xffff, v0;
	(pc) =	sbr.rel @p1 .LBB1_3-.Ltmp3, $4  }
0x39: {  	v0 =	vld [tilespmem:s16+$0x0];
	[tilespmem:s13+$0x0 ss:$0x81] =	vst.msk $0xffff, v1  }
0x3a: {  	s13 =	sshra.s32 s17, $0x2;
	v1 =	vld [tilespmem:s16+$0xFFFFFFE0]  }
0x3b: {  	s13 =	sadd.s32 s13, s14  }
0x3c: {  	s16 =	sadd.s32 $0x40, s16;
	[tilespmem:s13+$0x1830 ss:$0x81] =	vst.msk $0xffff, v3  }
.Ltmp4:
0x3d: {  	_ = 	snop;
	(pc) =	sbr.rel .LBB1_4-.Ltmp4, $1  }
0x3e: {  	_ =	sdelay $0x3  }
.LBB1_6:
0x3f: {  	_ =	sfence.sel $0x180000  }
0x40: {  	s2 =	simm.s32 $0x1;
	[bflag:$0x0] =	sbarrier.arrive $0xFFFF  }
0x41: {  	s31 =	simm.s32 $0x2;
	[sflag:s2] =	ssyncpa.u1 $0x1  }
0x42: {  	[sflag:s31] =	ssyncpa.u1 $0x1  }
0x43: {  	p0 =	sne.s32 s0, $0x0;
	_ =	strace $0x9000004D  }
0x44: {  	s0 =	sadd.s32 @!p0 $0x100000, s1;
	[bflag:$0x2] =	sbarrier.arrive $0xFFFF  }
0x45: {  	[sflag:s0] =	ssyncadd.tile.s32 @!p0 $0x1;
	_ =	shalt  }
.Lfunc_end1:
_tile_overlayer_lowered:
.L_overlay_start_2:
0x46: {  	(tag) =	ssettag $0x2  }
0x47: {  	s0 =	rddreg [dreg:$0x0];
	s2 =	stileid.u32  }
0x48: {  	s1 =	rddreg [dreg:$0x1];
	p0 =	sne.s32 s2, $0x0  }
0x49: {  	s3 =	rddreg [dreg:$0x2];
	[bflag:$0x3] =	sbarrier.arrive $0xFFFF;
	s2 =	simm.s32 @!p0 $0x1C01  }
0x4a: {  	[timem:s3], [sflag:s2] =	dma.local @!p0 [hbm:s0], s1  }
0x4b: {  	s0 =	simm.s32 @!p0 $0x1  }
0x4c: {  	_ =	swait.ge @!p0 [sflag:s0], s1  }
0x4d: {  	s1 =	ssub.s32 @!p0 $0x0, s1;
	[sflag:s0] =	ssyncset.done @!p0 $0x0  }
0x4e: {  	[sflag:s0] =	ssyncadd.s32 @!p0 s1  }
0x4f: {  	[bflag:$0x3] =	sbarrier.arrive $0xFFFF  }
0x50: {  	_ =	shalt  }

</sc_bundles>
